<compile_context>
chip_gen: v7x
topology: tpu7x:2x2x1
jax: 0.10.2.dev20260603
libtpu: 0.0.44.dev20260713+nightly
codegen_flags: <defaults>
</compile_context>

<pallas_src>
import functools

import jax
import jax.numpy as jnp
from jax import lax
from jax.experimental import pallas as pl
from jax.experimental.pallas import tpu as pltpu
from jax.experimental.pallas import tpu_sc as plsc

B = 16384
NF = 32
NC = 2
NS = 16
NW = NC * NS
BPW = B // NW
L = 16


def _make_sc_call():
    mesh = plsc.VectorSubcoreMesh(core_axis_name="c", subcore_axis_name="s")

    @functools.partial(
        pl.kernel,
        mesh=mesh,
        compiler_params=pltpu.CompilerParams(
            needs_layout_passes=False, use_tc_tiling_on_sc=False),
        out_type=jax.ShapeDtypeStruct((B,), jnp.float32),
        scratch_types=[
            pltpu.VMEM((BPW // 128, 128), jnp.int32),
            pltpu.VMEM((BPW // 128, 128), jnp.int32),
            pltpu.VMEM((BPW, NF), jnp.float32),
            pltpu.VMEM((BPW, NF), jnp.float32),
            pltpu.VMEM((BPW + L,), jnp.float32),
            pltpu.SemaphoreType.DMA,
            pltpu.SemaphoreType.DMA,
        ],
    )
    def sc_kernel(users_hbm, items_hbm, user_hbm, item_hbm, out_hbm,
                  uidx_v, iidx_v, urows_v, irows_v, out_v,
                  sem_u, sem_i):
        wid = lax.axis_index("s") * NC + lax.axis_index("c")
        base = wid * BPW
        nch = BPW // 128

        pltpu.sync_copy(users_hbm.at[wid], uidx_v)
        pltpu.sync_copy(items_hbm.at[wid], iidx_v)

        copies = []
        for k in range(nch):
            copies.append(pltpu.async_copy(
                user_hbm.at[uidx_v.at[k]],
                urows_v.at[pl.ds(k * 128, 128)], sem_u))
            copies.append(pltpu.async_copy(
                item_hbm.at[iidx_v.at[k]],
                irows_v.at[pl.ds(k * 128, 128)], sem_i))
        for cp in copies:
            cp.wait()

        lane = lax.iota(jnp.int32, L)
        last_mask = lane == (L - 1)

        def dot_chunk(c, carry):
            for j in range(L):
                r = c * L + j
                u0 = urows_v[r, pl.ds(0, L)]
                u1 = urows_v[r, pl.ds(L, L)]
                v0 = irows_v[r, pl.ds(0, L)]
                v1 = irows_v[r, pl.ds(L, L)]
                tot = plsc.cumsum(u0 * v0 + u1 * v1)
                plsc.store_compressed(out_v.at[pl.ds(r, L)], tot,
                                      mask=last_mask)
            return carry

        lax.fori_loop(0, BPW // L, dot_chunk, 0)

        pltpu.sync_copy(out_v.at[pl.ds(0, BPW)], out_hbm.at[pl.ds(base, BPW)])

    return sc_kernel


_sc_call = _make_sc_call()


@jax.jit
def kernel(data, user_factors, item_factors):
    data = data.astype(jnp.int32)
    users = data[:, 0].reshape(NW, BPW // 128, 128)
    items = data[:, 1].reshape(NW, BPW // 128, 128)
    return _sc_call(users, items, user_factors, item_factors)

# --- scband reference (transcript-rebuilt; emitter-appended) ---
"""Pipeline reference for scband-matrix-factorization-89962384982443 (READ-ONLY COPY).

The authoritative reference and input builder live on the scoring server;
editing this copy changes nothing except your own understanding.
"""

import jax, jax.numpy as jnp
import numpy as np

N_USERS = 1000000
N_ITEMS = 1000000
N_FACTORS = 32
BATCH = 16384

def setup_inputs(seed: int = 0) -> dict:
    key = jax.random.key(seed)
    k_data, k_u, k_i = jax.random.split(key, 3)
    data = jax.random.randint(k_data, (BATCH, 2), 0, N_USERS, dtype=jnp.int64) if jax.config.read('jax_enable_x64') else jax.random.randint(k_data, (BATCH, 2), 0, N_USERS).astype(jnp.int32)
    user_factors = jax.random.uniform(k_u, (N_USERS, N_FACTORS), dtype=jnp.float32, minval=0.0, maxval=0.05)
    item_factors = jax.random.uniform(k_i, (N_ITEMS, N_FACTORS), dtype=jnp.float32, minval=0.0, maxval=0.05)
    return {"data": data, "user_factors": user_factors, "item_factors": item_factors}

def reference(data, user_factors, item_factors):
    users = data[:, 0]
    items = data[:, 1]
    u = jnp.take(user_factors, users, axis=0)
    v = jnp.take(item_factors, items, axis=0)
    return (u * v).sum(axis=1)

if __name__ == "__main__":
    import jax
    _d = setup_inputs()
    print(jax.jit(kernel)(*tuple(_d.values())))

</pallas_src>

<mosaic_0001>
#map = affine_map<(d0, d1) -> (0, 0, 0)>
#map1 = affine_map<(d0, d1) -> (0, 0)>
#map2 = affine_map<(d0, d1) -> (0)>
module attributes {stable_mosaic.version = 14 : i64} {
  func.func @sc_kernel(%arg0: i32, %arg1: i32, %arg2: memref<32x4x128xi32, #tpu.memory_space<hbm>>, %arg3: memref<32x4x128xi32, #tpu.memory_space<hbm>>, %arg4: memref<1000000x32xf32, #tpu.memory_space<hbm>>, %arg5: memref<1000000x32xf32, #tpu.memory_space<hbm>>, %arg6: memref<16384xf32, #tpu.memory_space<hbm>>, %arg7: memref<4x128xi32, #tpu.memory_space<vmem>>, %arg8: memref<4x128xi32, #tpu.memory_space<vmem>>, %arg9: memref<512x32xf32, #tpu.memory_space<vmem>>, %arg10: memref<512x32xf32, #tpu.memory_space<vmem>>, %arg11: memref<528xf32, #tpu.memory_space<vmem>>, %arg12: memref<!tpu.dma_semaphore, #tpu.memory_space<semaphore_mem>>, %arg13: memref<!tpu.dma_semaphore, #tpu.memory_space<semaphore_mem>>) attributes {dimension_semantics = [#tpu.dimension_semantics<core_parallel>, #tpu.dimension_semantics<subcore_parallel>], iteration_bounds = array<i64: 2, 16>, scalar_prefetch = 0 : i64, scratch_operands = 7 : i64, tpu.core_type = #tpu.core_type<sc_vector_subcore>, window_params = [{transform_indices = #map}, {transform_indices = #map}, {transform_indices = #map1}, {transform_indices = #map1}, {transform_indices = #map2}]} {
    %mul3A = arith.constant 2 : i32
    %mul3A_0 = arith.muli %arg1, %mul3A : i32
    %add3A = arith.addi %mul3A_0, %arg0 : i32
    %mul3A_1 = arith.constant 512 : i32
    %mul3A_2 = arith.muli %add3A, %mul3A_1 : i32
    "tpu.region"() ({
      %run_scoped3A = tpu.sem_alloc : memref<!tpu.dma_semaphore, #tpu.memory_space<semaphore_mem>>
      %dma_start3A_168 = arith.constant 0 : i32
      %dma_start3A_169 = arith.constant 0 : i32
      %dma_start3A_170 = tpu.memref_slice %arg2[%add3A, %dma_start3A_168, %dma_start3A_169] : memref<32x4x128xi32, #tpu.memory_space<hbm>> -> memref<1x4x128xi32, #tpu.memory_space<hbm>>
      %dma_start3A_171 = tpu.memref_squeeze %dma_start3A_170 : memref<1x4x128xi32, #tpu.memory_space<hbm>> -> memref<4x128xi32, #tpu.memory_space<hbm>>
      %dma_start3A_172 = arith.constant 0 : i32
      %dma_start3A_173 = arith.constant 0 : i32
      %dma_start3A_174 = tpu.memref_slice %arg2[%add3A, %dma_start3A_172, %dma_start3A_173] : memref<32x4x128xi32, #tpu.memory_space<hbm>> -> memref<1x4x128xi32, #tpu.memory_space<hbm>>
      %dma_start3A_175 = tpu.memref_squeeze %dma_start3A_174 : memref<1x4x128xi32, #tpu.memory_space<hbm>> -> memref<4x128xi32, #tpu.memory_space<hbm>>
      tpu.enqueue_dma source(%dma_start3A_175 : memref<4x128xi32, #tpu.memory_space<hbm>>) target(%arg7 : memref<4x128xi32, #tpu.memory_space<vmem>>) target_semaphore(%run_scoped3A : memref<!tpu.dma_semaphore, #tpu.memory_space<semaphore_mem>>)
      %dma_wait3A_176 = arith.constant 0 : i32
      %dma_wait3A_177 = arith.constant 0 : i32
      %dma_wait3A_178 = tpu.memref_slice %arg2[%add3A, %dma_wait3A_176, %dma_wait3A_177] : memref<32x4x128xi32, #tpu.memory_space<hbm>> -> memref<1x4x128xi32, #tpu.memory_space<hbm>>
      %dma_wait3A_179 = tpu.memref_squeeze %dma_wait3A_178 : memref<1x4x128xi32, #tpu.memory_space<hbm>> -> memref<4x128xi32, #tpu.memory_space<hbm>>
      %dma_wait3A_180 = arith.constant 0 : i32
      %dma_wait3A_181 = arith.constant 0 : i32
      %dma_wait3A_182 = tpu.memref_slice %arg2[%add3A, %dma_wait3A_180, %dma_wait3A_181] : memref<32x4x128xi32, #tpu.memory_space<hbm>> -> memref<1x4x128xi32, #tpu.memory_space<hbm>>
      %dma_wait3A_183 = tpu.memref_squeeze %dma_wait3A_182 : memref<1x4x128xi32, #tpu.memory_space<hbm>> -> memref<4x128xi32, #tpu.memory_space<hbm>>
      tpu.wait_dma2 semaphore(%run_scoped3A : memref<!tpu.dma_semaphore, #tpu.memory_space<semaphore_mem>>) src(%dma_wait3A_183 : memref<4x128xi32, #tpu.memory_space<hbm>>) dst(%arg7 : memref<4x128xi32, #tpu.memory_space<vmem>>)
      tpu.yield
    }) : () -> ()
    "tpu.region"() ({
      %run_scoped3A = tpu.sem_alloc : memref<!tpu.dma_semaphore, #tpu.memory_space<semaphore_mem>>
      %dma_start3A_168 = arith.constant 0 : i32
      %dma_start3A_169 = arith.constant 0 : i32
      %dma_start3A_170 = tpu.memref_slice %arg3[%add3A, %dma_start3A_168, %dma_start3A_169] : memref<32x4x128xi32, #tpu.memory_space<hbm>> -> memref<1x4x128xi32, #tpu.memory_space<hbm>>
      %dma_start3A_171 = tpu.memref_squeeze %dma_start3A_170 : memref<1x4x128xi32, #tpu.memory_space<hbm>> -> memref<4x128xi32, #tpu.memory_space<hbm>>
      %dma_start3A_172 = arith.constant 0 : i32
      %dma_start3A_173 = arith.constant 0 : i32
      %dma_start3A_174 = tpu.memref_slice %arg3[%add3A, %dma_start3A_172, %dma_start3A_173] : memref<32x4x128xi32, #tpu.memory_space<hbm>> -> memref<1x4x128xi32, #tpu.memory_space<hbm>>
      %dma_start3A_175 = tpu.memref_squeeze %dma_start3A_174 : memref<1x4x128xi32, #tpu.memory_space<hbm>> -> memref<4x128xi32, #tpu.memory_space<hbm>>
      tpu.enqueue_dma source(%dma_start3A_175 : memref<4x128xi32, #tpu.memory_space<hbm>>) target(%arg8 : memref<4x128xi32, #tpu.memory_space<vmem>>) target_semaphore(%run_scoped3A : memref<!tpu.dma_semaphore, #tpu.memory_space<semaphore_mem>>)
      %dma_wait3A_176 = arith.constant 0 : i32
      %dma_wait3A_177 = arith.constant 0 : i32
      %dma_wait3A_178 = tpu.memref_slice %arg3[%add3A, %dma_wait3A_176, %dma_wait3A_177] : memref<32x4x128xi32, #tpu.memory_space<hbm>> -> memref<1x4x128xi32, #tpu.memory_space<hbm>>
      %dma_wait3A_179 = tpu.memref_squeeze %dma_wait3A_178 : memref<1x4x128xi32, #tpu.memory_space<hbm>> -> memref<4x128xi32, #tpu.memory_space<hbm>>
      %dma_wait3A_180 = arith.constant 0 : i32
      %dma_wait3A_181 = arith.constant 0 : i32
      %dma_wait3A_182 = tpu.memref_slice %arg3[%add3A, %dma_wait3A_180, %dma_wait3A_181] : memref<32x4x128xi32, #tpu.memory_space<hbm>> -> memref<1x4x128xi32, #tpu.memory_space<hbm>>
      %dma_wait3A_183 = tpu.memref_squeeze %dma_wait3A_182 : memref<1x4x128xi32, #tpu.memory_space<hbm>> -> memref<4x128xi32, #tpu.memory_space<hbm>>
      tpu.wait_dma2 semaphore(%run_scoped3A : memref<!tpu.dma_semaphore, #tpu.memory_space<semaphore_mem>>) src(%dma_wait3A_183 : memref<4x128xi32, #tpu.memory_space<hbm>>) dst(%arg8 : memref<4x128xi32, #tpu.memory_space<vmem>>)
      tpu.yield
    }) : () -> ()
    %dma_start3A = arith.constant 0 : i32
    %dma_start3A_3 = arith.constant 0 : i32
    %dma_start3A_4 = arith.constant 0 : i32
    %dma_start3A_5 = tpu.memref_slice %arg9[%dma_start3A_3, %dma_start3A_4] : memref<512x32xf32, #tpu.memory_space<vmem>> -> memref<128x32xf32, #tpu.memory_space<vmem>>
    %dma_start3A_6 = arith.constant 0 : i32
    %dma_start3A_7 = tpu.memref_slice %arg7[%dma_start3A, %dma_start3A_6] : memref<4x128xi32, #tpu.memory_space<vmem>> -> memref<1x128xi32, #tpu.memory_space<vmem>>
    %dma_start3A_8 = tpu.memref_squeeze %dma_start3A_7 : memref<1x128xi32, #tpu.memory_space<vmem>> -> memref<128xi32, #tpu.memory_space<vmem>>
    %dma_start3A_9 = arith.constant 0 : i32
    %dma_start3A_10 = arith.constant 0 : i32
    %dma_start3A_11 = tpu.memref_slice %arg4[%dma_start3A_9, %dma_start3A_10] : memref<1000000x32xf32, #tpu.memory_space<hbm>> -> memref<1000000x32xf32, #tpu.memory_space<hbm>>
    tpu.enqueue_indirect_dma source(%dma_start3A_11 : memref<1000000x32xf32, #tpu.memory_space<hbm>>) target(%dma_start3A_5 : memref<128x32xf32, #tpu.memory_space<vmem>>) offsets(%dma_start3A_8 : memref<128xi32, #tpu.memory_space<vmem>>) semaphore(%arg12 : memref<!tpu.dma_semaphore, #tpu.memory_space<semaphore_mem>>)
    %dma_start3A_12 = arith.constant 0 : i32
    %dma_start3A_13 = arith.constant 0 : i32
    %dma_start3A_14 = arith.constant 0 : i32
    %dma_start3A_15 = tpu.memref_slice %arg10[%dma_start3A_13, %dma_start3A_14] : memref<512x32xf32, #tpu.memory_space<vmem>> -> memref<128x32xf32, #tpu.memory_space<vmem>>
    %dma_start3A_16 = arith.constant 0 : i32
    %dma_start3A_17 = tpu.memref_slice %arg8[%dma_start3A_12, %dma_start3A_16] : memref<4x128xi32, #tpu.memory_space<vmem>> -> memref<1x128xi32, #tpu.memory_space<vmem>>
    %dma_start3A_18 = tpu.memref_squeeze %dma_start3A_17 : memref<1x128xi32, #tpu.memory_space<vmem>> -> memref<128xi32, #tpu.memory_space<vmem>>
    %dma_start3A_19 = arith.constant 0 : i32
    %dma_start3A_20 = arith.constant 0 : i32
    %dma_start3A_21 = tpu.memref_slice %arg5[%dma_start3A_19, %dma_start3A_20] : memref<1000000x32xf32, #tpu.memory_space<hbm>> -> memref<1000000x32xf32, #tpu.memory_space<hbm>>
    tpu.enqueue_indirect_dma source(%dma_start3A_21 : memref<1000000x32xf32, #tpu.memory_space<hbm>>) target(%dma_start3A_15 : memref<128x32xf32, #tpu.memory_space<vmem>>) offsets(%dma_start3A_18 : memref<128xi32, #tpu.memory_space<vmem>>) semaphore(%arg13 : memref<!tpu.dma_semaphore, #tpu.memory_space<semaphore_mem>>)
    %dma_start3A_22 = arith.constant 1 : i32
    %dma_start3A_23 = arith.constant 128 : i32
    %dma_start3A_24 = arith.constant 0 : i32
    %dma_start3A_25 = tpu.memref_slice %arg9[%dma_start3A_23, %dma_start3A_24] : memref<512x32xf32, #tpu.memory_space<vmem>> -> memref<128x32xf32, #tpu.memory_space<vmem>>
    %dma_start3A_26 = arith.constant 0 : i32
    %dma_start3A_27 = tpu.memref_slice %arg7[%dma_start3A_22, %dma_start3A_26] : memref<4x128xi32, #tpu.memory_space<vmem>> -> memref<1x128xi32, #tpu.memory_space<vmem>>
    %dma_start3A_28 = tpu.memref_squeeze %dma_start3A_27 : memref<1x128xi32, #tpu.memory_space<vmem>> -> memref<128xi32, #tpu.memory_space<vmem>>
    %dma_start3A_29 = arith.constant 0 : i32
    %dma_start3A_30 = arith.constant 0 : i32
    %dma_start3A_31 = tpu.memref_slice %arg4[%dma_start3A_29, %dma_start3A_30] : memref<1000000x32xf32, #tpu.memory_space<hbm>> -> memref<1000000x32xf32, #tpu.memory_space<hbm>>
    tpu.enqueue_indirect_dma source(%dma_start3A_31 : memref<1000000x32xf32, #tpu.memory_space<hbm>>) target(%dma_start3A_25 : memref<128x32xf32, #tpu.memory_space<vmem>>) offsets(%dma_start3A_28 : memref<128xi32, #tpu.memory_space<vmem>>) semaphore(%arg12 : memref<!tpu.dma_semaphore, #tpu.memory_space<semaphore_mem>>)
    %dma_start3A_32 = arith.constant 1 : i32
    %dma_start3A_33 = arith.constant 128 : i32
    %dma_start3A_34 = arith.constant 0 : i32
    %dma_start3A_35 = tpu.memref_slice %arg10[%dma_start3A_33, %dma_start3A_34] : memref<512x32xf32, #tpu.memory_space<vmem>> -> memref<128x32xf32, #tpu.memory_space<vmem>>
    %dma_start3A_36 = arith.constant 0 : i32
    %dma_start3A_37 = tpu.memref_slice %arg8[%dma_start3A_32, %dma_start3A_36] : memref<4x128xi32, #tpu.memory_space<vmem>> -> memref<1x128xi32, #tpu.memory_space<vmem>>
    %dma_start3A_38 = tpu.memref_squeeze %dma_start3A_37 : memref<1x128xi32, #tpu.memory_space<vmem>> -> memref<128xi32, #tpu.memory_space<vmem>>
    %dma_start3A_39 = arith.constant 0 : i32
    %dma_start3A_40 = arith.constant 0 : i32
    %dma_start3A_41 = tpu.memref_slice %arg5[%dma_start3A_39, %dma_start3A_40] : memref<1000000x32xf32, #tpu.memory_space<hbm>> -> memref<1000000x32xf32, #tpu.memory_space<hbm>>
    tpu.enqueue_indirect_dma source(%dma_start3A_41 : memref<1000000x32xf32, #tpu.memory_space<hbm>>) target(%dma_start3A_35 : memref<128x32xf32, #tpu.memory_space<vmem>>) offsets(%dma_start3A_38 : memref<128xi32, #tpu.memory_space<vmem>>) semaphore(%arg13 : memref<!tpu.dma_semaphore, #tpu.memory_space<semaphore_mem>>)
    %dma_start3A_42 = arith.constant 2 : i32
    %dma_start3A_43 = arith.constant 256 : i32
    %dma_start3A_44 = arith.constant 0 : i32
    %dma_start3A_45 = tpu.memref_slice %arg9[%dma_start3A_43, %dma_start3A_44] : memref<512x32xf32, #tpu.memory_space<vmem>> -> memref<128x32xf32, #tpu.memory_space<vmem>>
    %dma_start3A_46 = arith.constant 0 : i32
    %dma_start3A_47 = tpu.memref_slice %arg7[%dma_start3A_42, %dma_start3A_46] : memref<4x128xi32, #tpu.memory_space<vmem>> -> memref<1x128xi32, #tpu.memory_space<vmem>>
    %dma_start3A_48 = tpu.memref_squeeze %dma_start3A_47 : memref<1x128xi32, #tpu.memory_space<vmem>> -> memref<128xi32, #tpu.memory_space<vmem>>
    %dma_start3A_49 = arith.constant 0 : i32
    %dma_start3A_50 = arith.constant 0 : i32
    %dma_start3A_51 = tpu.memref_slice %arg4[%dma_start3A_49, %dma_start3A_50] : memref<1000000x32xf32, #tpu.memory_space<hbm>> -> memref<1000000x32xf32, #tpu.memory_space<hbm>>
    tpu.enqueue_indirect_dma source(%dma_start3A_51 : memref<1000000x32xf32, #tpu.memory_space<hbm>>) target(%dma_start3A_45 : memref<128x32xf32, #tpu.memory_space<vmem>>) offsets(%dma_start3A_48 : memref<128xi32, #tpu.memory_space<vmem>>) semaphore(%arg12 : memref<!tpu.dma_semaphore, #tpu.memory_space<semaphore_mem>>)
    %dma_start3A_52 = arith.constant 2 : i32
    %dma_start3A_53 = arith.constant 256 : i32
    %dma_start3A_54 = arith.constant 0 : i32
    %dma_start3A_55 = tpu.memref_slice %arg10[%dma_start3A_53, %dma_start3A_54] : memref<512x32xf32, #tpu.memory_space<vmem>> -> memref<128x32xf32, #tpu.memory_space<vmem>>
    %dma_start3A_56 = arith.constant 0 : i32
    %dma_start3A_57 = tpu.memref_slice %arg8[%dma_start3A_52, %dma_start3A_56] : memref<4x128xi32, #tpu.memory_space<vmem>> -> memref<1x128xi32, #tpu.memory_space<vmem>>
    %dma_start3A_58 = tpu.memref_squeeze %dma_start3A_57 : memref<1x128xi32, #tpu.memory_space<vmem>> -> memref<128xi32, #tpu.memory_space<vmem>>
    %dma_start3A_59 = arith.constant 0 : i32
    %dma_start3A_60 = arith.constant 0 : i32
    %dma_start3A_61 = tpu.memref_slice %arg5[%dma_start3A_59, %dma_start3A_60] : memref<1000000x32xf32, #tpu.memory_space<hbm>> -> memref<1000000x32xf32, #tpu.memory_space<hbm>>
    tpu.enqueue_indirect_dma source(%dma_start3A_61 : memref<1000000x32xf32, #tpu.memory_space<hbm>>) target(%dma_start3A_55 : memref<128x32xf32, #tpu.memory_space<vmem>>) offsets(%dma_start3A_58 : memref<128xi32, #tpu.memory_space<vmem>>) semaphore(%arg13 : memref<!tpu.dma_semaphore, #tpu.memory_space<semaphore_mem>>)
    %dma_start3A_62 = arith.constant 3 : i32
    %dma_start3A_63 = arith.constant 384 : i32
    %dma_start3A_64 = arith.constant 0 : i32
    %dma_start3A_65 = tpu.memref_slice %arg9[%dma_start3A_63, %dma_start3A_64] : memref<512x32xf32, #tpu.memory_space<vmem>> -> memref<128x32xf32, #tpu.memory_space<vmem>>
    %dma_start3A_66 = arith.constant 0 : i32
    %dma_start3A_67 = tpu.memref_slice %arg7[%dma_start3A_62, %dma_start3A_66] : memref<4x128xi32, #tpu.memory_space<vmem>> -> memref<1x128xi32, #tpu.memory_space<vmem>>
    %dma_start3A_68 = tpu.memref_squeeze %dma_start3A_67 : memref<1x128xi32, #tpu.memory_space<vmem>> -> memref<128xi32, #tpu.memory_space<vmem>>
    %dma_start3A_69 = arith.constant 0 : i32
    %dma_start3A_70 = arith.constant 0 : i32
    %dma_start3A_71 = tpu.memref_slice %arg4[%dma_start3A_69, %dma_start3A_70] : memref<1000000x32xf32, #tpu.memory_space<hbm>> -> memref<1000000x32xf32, #tpu.memory_space<hbm>>
    tpu.enqueue_indirect_dma source(%dma_start3A_71 : memref<1000000x32xf32, #tpu.memory_space<hbm>>) target(%dma_start3A_65 : memref<128x32xf32, #tpu.memory_space<vmem>>) offsets(%dma_start3A_68 : memref<128xi32, #tpu.memory_space<vmem>>) semaphore(%arg12 : memref<!tpu.dma_semaphore, #tpu.memory_space<semaphore_mem>>)
    %dma_start3A_72 = arith.constant 3 : i32
    %dma_start3A_73 = arith.constant 384 : i32
    %dma_start3A_74 = arith.constant 0 : i32
    %dma_start3A_75 = tpu.memref_slice %arg10[%dma_start3A_73, %dma_start3A_74] : memref<512x32xf32, #tpu.memory_space<vmem>> -> memref<128x32xf32, #tpu.memory_space<vmem>>
    %dma_start3A_76 = arith.constant 0 : i32
    %dma_start3A_77 = tpu.memref_slice %arg8[%dma_start3A_72, %dma_start3A_76] : memref<4x128xi32, #tpu.memory_space<vmem>> -> memref<1x128xi32, #tpu.memory_space<vmem>>
    %dma_start3A_78 = tpu.memref_squeeze %dma_start3A_77 : memref<1x128xi32, #tpu.memory_space<vmem>> -> memref<128xi32, #tpu.memory_space<vmem>>
    %dma_start3A_79 = arith.constant 0 : i32
    %dma_start3A_80 = arith.constant 0 : i32
    %dma_start3A_81 = tpu.memref_slice %arg5[%dma_start3A_79, %dma_start3A_80] : memref<1000000x32xf32, #tpu.memory_space<hbm>> -> memref<1000000x32xf32, #tpu.memory_space<hbm>>
    tpu.enqueue_indirect_dma source(%dma_start3A_81 : memref<1000000x32xf32, #tpu.memory_space<hbm>>) target(%dma_start3A_75 : memref<128x32xf32, #tpu.memory_space<vmem>>) offsets(%dma_start3A_78 : memref<128xi32, #tpu.memory_space<vmem>>) semaphore(%arg13 : memref<!tpu.dma_semaphore, #tpu.memory_space<semaphore_mem>>)
    %dma_wait3A = arith.constant 0 : i32
    %dma_wait3A_82 = arith.constant 0 : i32
    %dma_wait3A_83 = arith.constant 0 : i32
    %dma_wait3A_84 = tpu.memref_slice %arg9[%dma_wait3A_82, %dma_wait3A_83] : memref<512x32xf32, #tpu.memory_space<vmem>> -> memref<128x32xf32, #tpu.memory_space<vmem>>
    %dma_wait3A_85 = arith.constant 0 : i32
    %dma_wait3A_86 = tpu.memref_slice %arg7[%dma_wait3A, %dma_wait3A_85] : memref<4x128xi32, #tpu.memory_space<vmem>> -> memref<1x128xi32, #tpu.memory_space<vmem>>
    %dma_wait3A_87 = tpu.memref_squeeze %dma_wait3A_86 : memref<1x128xi32, #tpu.memory_space<vmem>> -> memref<128xi32, #tpu.memory_space<vmem>>
    %dma_wait3A_88 = arith.constant 0 : i32
    %dma_wait3A_89 = arith.constant 0 : i32
    %dma_wait3A_90 = tpu.memref_slice %arg4[%dma_wait3A_88, %dma_wait3A_89] : memref<1000000x32xf32, #tpu.memory_space<hbm>> -> memref<1000000x32xf32, #tpu.memory_space<hbm>>
    tpu.wait_indirect_dma semaphore(%arg12 : memref<!tpu.dma_semaphore, #tpu.memory_space<semaphore_mem>>) src(%dma_wait3A_90 : memref<1000000x32xf32, #tpu.memory_space<hbm>>) dst(%dma_wait3A_84 : memref<128x32xf32, #tpu.memory_space<vmem>>)
    %dma_wait3A_91 = arith.constant 0 : i32
    %dma_wait3A_92 = arith.constant 0 : i32
    %dma_wait3A_93 = arith.constant 0 : i32
    %dma_wait3A_94 = tpu.memref_slice %arg10[%dma_wait3A_92, %dma_wait3A_93] : memref<512x32xf32, #tpu.memory_space<vmem>> -> memref<128x32xf32, #tpu.memory_space<vmem>>
    %dma_wait3A_95 = arith.constant 0 : i32
    %dma_wait3A_96 = tpu.memref_slice %arg8[%dma_wait3A_91, %dma_wait3A_95] : memref<4x128xi32, #tpu.memory_space<vmem>> -> memref<1x128xi32, #tpu.memory_space<vmem>>
    %dma_wait3A_97 = tpu.memref_squeeze %dma_wait3A_96 : memref<1x128xi32, #tpu.memory_space<vmem>> -> memref<128xi32, #tpu.memory_space<vmem>>
    %dma_wait3A_98 = arith.constant 0 : i32
    %dma_wait3A_99 = arith.constant 0 : i32
    %dma_wait3A_100 = tpu.memref_slice %arg5[%dma_wait3A_98, %dma_wait3A_99] : memref<1000000x32xf32, #tpu.memory_space<hbm>> -> memref<1000000x32xf32, #tpu.memory_space<hbm>>
    tpu.wait_indirect_dma semaphore(%arg13 : memref<!tpu.dma_semaphore, #tpu.memory_space<semaphore_mem>>) src(%dma_wait3A_100 : memref<1000000x32xf32, #tpu.memory_space<hbm>>) dst(%dma_wait3A_94 : memref<128x32xf32, #tpu.memory_space<vmem>>)
    %dma_wait3A_101 = arith.constant 1 : i32
    %dma_wait3A_102 = arith.constant 128 : i32
    %dma_wait3A_103 = arith.constant 0 : i32
    %dma_wait3A_104 = tpu.memref_slice %arg9[%dma_wait3A_102, %dma_wait3A_103] : memref<512x32xf32, #tpu.memory_space<vmem>> -> memref<128x32xf32, #tpu.memory_space<vmem>>
    %dma_wait3A_105 = arith.constant 0 : i32
    %dma_wait3A_106 = tpu.memref_slice %arg7[%dma_wait3A_101, %dma_wait3A_105] : memref<4x128xi32, #tpu.memory_space<vmem>> -> memref<1x128xi32, #tpu.memory_space<vmem>>
    %dma_wait3A_107 = tpu.memref_squeeze %dma_wait3A_106 : memref<1x128xi32, #tpu.memory_space<vmem>> -> memref<128xi32, #tpu.memory_space<vmem>>
    %dma_wait3A_108 = arith.constant 0 : i32
    %dma_wait3A_109 = arith.constant 0 : i32
    %dma_wait3A_110 = tpu.memref_slice %arg4[%dma_wait3A_108, %dma_wait3A_109] : memref<1000000x32xf32, #tpu.memory_space<hbm>> -> memref<1000000x32xf32, #tpu.memory_space<hbm>>
    tpu.wait_indirect_dma semaphore(%arg12 : memref<!tpu.dma_semaphore, #tpu.memory_space<semaphore_mem>>) src(%dma_wait3A_110 : memref<1000000x32xf32, #tpu.memory_space<hbm>>) dst(%dma_wait3A_104 : memref<128x32xf32, #tpu.memory_space<vmem>>)
    %dma_wait3A_111 = arith.constant 1 : i32
    %dma_wait3A_112 = arith.constant 128 : i32
    %dma_wait3A_113 = arith.constant 0 : i32
    %dma_wait3A_114 = tpu.memref_slice %arg10[%dma_wait3A_112, %dma_wait3A_113] : memref<512x32xf32, #tpu.memory_space<vmem>> -> memref<128x32xf32, #tpu.memory_space<vmem>>
    %dma_wait3A_115 = arith.constant 0 : i32
    %dma_wait3A_116 = tpu.memref_slice %arg8[%dma_wait3A_111, %dma_wait3A_115] : memref<4x128xi32, #tpu.memory_space<vmem>> -> memref<1x128xi32, #tpu.memory_space<vmem>>
    %dma_wait3A_117 = tpu.memref_squeeze %dma_wait3A_116 : memref<1x128xi32, #tpu.memory_space<vmem>> -> memref<128xi32, #tpu.memory_space<vmem>>
    %dma_wait3A_118 = arith.constant 0 : i32
    %dma_wait3A_119 = arith.constant 0 : i32
    %dma_wait3A_120 = tpu.memref_slice %arg5[%dma_wait3A_118, %dma_wait3A_119] : memref<1000000x32xf32, #tpu.memory_space<hbm>> -> memref<1000000x32xf32, #tpu.memory_space<hbm>>
    tpu.wait_indirect_dma semaphore(%arg13 : memref<!tpu.dma_semaphore, #tpu.memory_space<semaphore_mem>>) src(%dma_wait3A_120 : memref<1000000x32xf32, #tpu.memory_space<hbm>>) dst(%dma_wait3A_114 : memref<128x32xf32, #tpu.memory_space<vmem>>)
    %dma_wait3A_121 = arith.constant 2 : i32
    %dma_wait3A_122 = arith.constant 256 : i32
    %dma_wait3A_123 = arith.constant 0 : i32
    %dma_wait3A_124 = tpu.memref_slice %arg9[%dma_wait3A_122, %dma_wait3A_123] : memref<512x32xf32, #tpu.memory_space<vmem>> -> memref<128x32xf32, #tpu.memory_space<vmem>>
    %dma_wait3A_125 = arith.constant 0 : i32
    %dma_wait3A_126 = tpu.memref_slice %arg7[%dma_wait3A_121, %dma_wait3A_125] : memref<4x128xi32, #tpu.memory_space<vmem>> -> memref<1x128xi32, #tpu.memory_space<vmem>>
    %dma_wait3A_127 = tpu.memref_squeeze %dma_wait3A_126 : memref<1x128xi32, #tpu.memory_space<vmem>> -> memref<128xi32, #tpu.memory_space<vmem>>
    %dma_wait3A_128 = arith.constant 0 : i32
    %dma_wait3A_129 = arith.constant 0 : i32
    %dma_wait3A_130 = tpu.memref_slice %arg4[%dma_wait3A_128, %dma_wait3A_129] : memref<1000000x32xf32, #tpu.memory_space<hbm>> -> memref<1000000x32xf32, #tpu.memory_space<hbm>>
    tpu.wait_indirect_dma semaphore(%arg12 : memref<!tpu.dma_semaphore, #tpu.memory_space<semaphore_mem>>) src(%dma_wait3A_130 : memref<1000000x32xf32, #tpu.memory_space<hbm>>) dst(%dma_wait3A_124 : memref<128x32xf32, #tpu.memory_space<vmem>>)
    %dma_wait3A_131 = arith.constant 2 : i32
    %dma_wait3A_132 = arith.constant 256 : i32
    %dma_wait3A_133 = arith.constant 0 : i32
    %dma_wait3A_134 = tpu.memref_slice %arg10[%dma_wait3A_132, %dma_wait3A_133] : memref<512x32xf32, #tpu.memory_space<vmem>> -> memref<128x32xf32, #tpu.memory_space<vmem>>
    %dma_wait3A_135 = arith.constant 0 : i32
    %dma_wait3A_136 = tpu.memref_slice %arg8[%dma_wait3A_131, %dma_wait3A_135] : memref<4x128xi32, #tpu.memory_space<vmem>> -> memref<1x128xi32, #tpu.memory_space<vmem>>
    %dma_wait3A_137 = tpu.memref_squeeze %dma_wait3A_136 : memref<1x128xi32, #tpu.memory_space<vmem>> -> memref<128xi32, #tpu.memory_space<vmem>>
    %dma_wait3A_138 = arith.constant 0 : i32
    %dma_wait3A_139 = arith.constant 0 : i32
    %dma_wait3A_140 = tpu.memref_slice %arg5[%dma_wait3A_138, %dma_wait3A_139] : memref<1000000x32xf32, #tpu.memory_space<hbm>> -> memref<1000000x32xf32, #tpu.memory_space<hbm>>
    tpu.wait_indirect_dma semaphore(%arg13 : memref<!tpu.dma_semaphore, #tpu.memory_space<semaphore_mem>>) src(%dma_wait3A_140 : memref<1000000x32xf32, #tpu.memory_space<hbm>>) dst(%dma_wait3A_134 : memref<128x32xf32, #tpu.memory_space<vmem>>)
    %dma_wait3A_141 = arith.constant 3 : i32
    %dma_wait3A_142 = arith.constant 384 : i32
    %dma_wait3A_143 = arith.constant 0 : i32
    %dma_wait3A_144 = tpu.memref_slice %arg9[%dma_wait3A_142, %dma_wait3A_143] : memref<512x32xf32, #tpu.memory_space<vmem>> -> memref<128x32xf32, #tpu.memory_space<vmem>>
    %dma_wait3A_145 = arith.constant 0 : i32
    %dma_wait3A_146 = tpu.memref_slice %arg7[%dma_wait3A_141, %dma_wait3A_145] : memref<4x128xi32, #tpu.memory_space<vmem>> -> memref<1x128xi32, #tpu.memory_space<vmem>>
    %dma_wait3A_147 = tpu.memref_squeeze %dma_wait3A_146 : memref<1x128xi32, #tpu.memory_space<vmem>> -> memref<128xi32, #tpu.memory_space<vmem>>
    %dma_wait3A_148 = arith.constant 0 : i32
    %dma_wait3A_149 = arith.constant 0 : i32
    %dma_wait3A_150 = tpu.memref_slice %arg4[%dma_wait3A_148, %dma_wait3A_149] : memref<1000000x32xf32, #tpu.memory_space<hbm>> -> memref<1000000x32xf32, #tpu.memory_space<hbm>>
    tpu.wait_indirect_dma semaphore(%arg12 : memref<!tpu.dma_semaphore, #tpu.memory_space<semaphore_mem>>) src(%dma_wait3A_150 : memref<1000000x32xf32, #tpu.memory_space<hbm>>) dst(%dma_wait3A_144 : memref<128x32xf32, #tpu.memory_space<vmem>>)
    %dma_wait3A_151 = arith.constant 3 : i32
    %dma_wait3A_152 = arith.constant 384 : i32
    %dma_wait3A_153 = arith.constant 0 : i32
    %dma_wait3A_154 = tpu.memref_slice %arg10[%dma_wait3A_152, %dma_wait3A_153] : memref<512x32xf32, #tpu.memory_space<vmem>> -> memref<128x32xf32, #tpu.memory_space<vmem>>
    %dma_wait3A_155 = arith.constant 0 : i32
    %dma_wait3A_156 = tpu.memref_slice %arg8[%dma_wait3A_151, %dma_wait3A_155] : memref<4x128xi32, #tpu.memory_space<vmem>> -> memref<1x128xi32, #tpu.memory_space<vmem>>
    %dma_wait3A_157 = tpu.memref_squeeze %dma_wait3A_156 : memref<1x128xi32, #tpu.memory_space<vmem>> -> memref<128xi32, #tpu.memory_space<vmem>>
    %dma_wait3A_158 = arith.constant 0 : i32
    %dma_wait3A_159 = arith.constant 0 : i32
    %dma_wait3A_160 = tpu.memref_slice %arg5[%dma_wait3A_158, %dma_wait3A_159] : memref<1000000x32xf32, #tpu.memory_space<hbm>> -> memref<1000000x32xf32, #tpu.memory_space<hbm>>
    tpu.wait_indirect_dma semaphore(%arg13 : memref<!tpu.dma_semaphore, #tpu.memory_space<semaphore_mem>>) src(%dma_wait3A_160 : memref<1000000x32xf32, #tpu.memory_space<hbm>>) dst(%dma_wait3A_154 : memref<128x32xf32, #tpu.memory_space<vmem>>)
    %iota3A = tpu.iota {dimensions = array<i32: 0>} : vector<16xi32>
    %eq3A = arith.constant 15 : i32
    %eq3A_161 = vector.broadcast %eq3A : i32 to vector<16xi32>
    %eq3A_162 = arith.cmpi eq, %iota3A, %eq3A_161 : vector<16xi32>
    %scan3A = arith.constant 0 : i32
    %scan3A_163 = arith.constant 0 : i32
    %scan3A_164 = arith.constant 32 : i32
    %scan3A_165 = arith.addi %scan3A_163, %scan3A_164 : i32
    %scan3A_166 = arith.constant 1 : i32
    scf.for %scan3A_168 = %scan3A_163 to %scan3A_165 step %scan3A_166  : i32 {
      %mul3A_169 = arith.constant 16 : i32
      %mul3A_170 = arith.muli %scan3A_168, %mul3A_169 : i32
      %add3A_171 = arith.constant 0 : i32
      %add3A_172 = arith.addi %mul3A_170, %add3A_171 : i32
      %get3A = arith.index_cast %add3A_172 : i32 to index
      %get3A_173 = arith.constant 0 : index
      %get3A_174 = tpu.vector_load %arg9[%get3A, %get3A_173] {strides = array<i32>} : memref<512x32xf32, #tpu.memory_space<vmem>>, vector<16xf32>,
      %get3A_175 = arith.index_cast %add3A_172 : i32 to index
      %get3A_176 = arith.constant 16 : index
      %get3A_177 = tpu.vector_load %arg9[%get3A_175, %get3A_176] {strides = array<i32>} : memref<512x32xf32, #tpu.memory_space<vmem>>, vector<16xf32>,
      %get3A_178 = arith.index_cast %add3A_172 : i32 to index
      %get3A_179 = arith.constant 0 : index
      %get3A_180 = tpu.vector_load %arg10[%get3A_178, %get3A_179] {strides = array<i32>} : memref<512x32xf32, #tpu.memory_space<vmem>>, vector<16xf32>,
      %get3A_181 = arith.index_cast %add3A_172 : i32 to index
      %get3A_182 = arith.constant 16 : index
      %get3A_183 = tpu.vector_load %arg10[%get3A_181, %get3A_182] {strides = array<i32>} : memref<512x32xf32, #tpu.memory_space<vmem>>, vector<16xf32>,
      %mul3A_184 = arith.mulf %get3A_174, %get3A_180 : vector<16xf32>
      %mul3A_185 = arith.mulf %get3A_177, %get3A_183 : vector<16xf32>
      %add3A_186 = arith.addf %mul3A_184, %mul3A_185 : vector<16xf32>
      %broadcast_in_dim3A = arith.constant true
      %broadcast_in_dim3A_187 = vector.broadcast %broadcast_in_dim3A : i1 to vector<16xi1>
      %masked_cumsum3A = tpu.scan <sum>, %add3A_186 masked %broadcast_in_dim3A_187 : vector<16xf32>, vector<16xi1> -> vector<16xf32>
      %swap3A = arith.index_cast %add3A_172 : i32 to index
      %swap3A_188 = tpu.vector_load %arg11[%swap3A] masked %eq3A_162 {strides = array<i32>} : memref<528xf32, #tpu.memory_space<vmem>>, vector<16xf32>, vector<16xi1>
      tpu.vector_store %arg11[%swap3A], %masked_cumsum3A masked %eq3A_162 {strides = array<i32>} : memref<528xf32, #tpu.memory_space<vmem>>, vector<16xf32>, vector<16xi1>
      %mul3A_189 = arith.constant 16 : i32
      %mul3A_190 = arith.muli %scan3A_168, %mul3A_189 : i32
      %add3A_191 = arith.constant 1 : i32
      %add3A_192 = arith.addi %mul3A_190, %add3A_191 : i32
      %get3A_193 = arith.index_cast %add3A_192 : i32 to index
      %get3A_194 = arith.constant 0 : index
      %get3A_195 = tpu.vector_load %arg9[%get3A_193, %get3A_194] {strides = array<i32>} : memref<512x32xf32, #tpu.memory_space<vmem>>, vector<16xf32>,
      %get3A_196 = arith.index_cast %add3A_192 : i32 to index
      %get3A_197 = arith.constant 16 : index
      %get3A_198 = tpu.vector_load %arg9[%get3A_196, %get3A_197] {strides = array<i32>} : memref<512x32xf32, #tpu.memory_space<vmem>>, vector<16xf32>,
      %get3A_199 = arith.index_cast %add3A_192 : i32 to index
      %get3A_200 = arith.constant 0 : index
      %get3A_201 = tpu.vector_load %arg10[%get3A_199, %get3A_200] {strides = array<i32>} : memref<512x32xf32, #tpu.memory_space<vmem>>, vector<16xf32>,
      %get3A_202 = arith.index_cast %add3A_192 : i32 to index
      %get3A_203 = arith.constant 16 : index
      %get3A_204 = tpu.vector_load %arg10[%get3A_202, %get3A_203] {strides = array<i32>} : memref<512x32xf32, #tpu.memory_space<vmem>>, vector<16xf32>,
      %mul3A_205 = arith.mulf %get3A_195, %get3A_201 : vector<16xf32>
      %mul3A_206 = arith.mulf %get3A_198, %get3A_204 : vector<16xf32>
      %add3A_207 = arith.addf %mul3A_205, %mul3A_206 : vector<16xf32>
      %broadcast_in_dim3A_208 = arith.constant true
      %broadcast_in_dim3A_209 = vector.broadcast %broadcast_in_dim3A_208 : i1 to vector<16xi1>
      %masked_cumsum3A_210 = tpu.scan <sum>, %add3A_207 masked %broadcast_in_dim3A_209 : vector<16xf32>, vector<16xi1> -> vector<16xf32>
      %swap3A_211 = arith.index_cast %add3A_192 : i32 to index
      %swap3A_212 = tpu.vector_load %arg11[%swap3A_211] masked %eq3A_162 {strides = array<i32>} : memref<528xf32, #tpu.memory_space<vmem>>, vector<16xf32>, vector<16xi1>
      tpu.vector_store %arg11[%swap3A_211], %masked_cumsum3A_210 masked %eq3A_162 {strides = array<i32>} : memref<528xf32, #tpu.memory_space<vmem>>, vector<16xf32>, vector<16xi1>
      %mul3A_213 = arith.constant 16 : i32
      %mul3A_214 = arith.muli %scan3A_168, %mul3A_213 : i32
      %add3A_215 = arith.constant 2 : i32
      %add3A_216 = arith.addi %mul3A_214, %add3A_215 : i32
      %get3A_217 = arith.index_cast %add3A_216 : i32 to index
      %get3A_218 = arith.constant 0 : index
      %get3A_219 = tpu.vector_load %arg9[%get3A_217, %get3A_218] {strides = array<i32>} : memref<512x32xf32, #tpu.memory_space<vmem>>, vector<16xf32>,
      %get3A_220 = arith.index_cast %add3A_216 : i32 to index
      %get3A_221 = arith.constant 16 : index
      %get3A_222 = tpu.vector_load %arg9[%get3A_220, %get3A_221] {strides = array<i32>} : memref<512x32xf32, #tpu.memory_space<vmem>>, vector<16xf32>,
      %get3A_223 = arith.index_cast %add3A_216 : i32 to index
      %get3A_224 = arith.constant 0 : index
      %get3A_225 = tpu.vector_load %arg10[%get3A_223, %get3A_224] {strides = array<i32>} : memref<512x32xf32, #tpu.memory_space<vmem>>, vector<16xf32>,
      %get3A_226 = arith.index_cast %add3A_216 : i32 to index
      %get3A_227 = arith.constant 16 : index
      %get3A_228 = tpu.vector_load %arg10[%get3A_226, %get3A_227] {strides = array<i32>} : memref<512x32xf32, #tpu.memory_space<vmem>>, vector<16xf32>,
      %mul3A_229 = arith.mulf %get3A_219, %get3A_225 : vector<16xf32>
      %mul3A_230 = arith.mulf %get3A_222, %get3A_228 : vector<16xf32>
      %add3A_231 = arith.addf %mul3A_229, %mul3A_230 : vector<16xf32>
      %broadcast_in_dim3A_232 = arith.constant true
      %broadcast_in_dim3A_233 = vector.broadcast %broadcast_in_dim3A_232 : i1 to vector<16xi1>
      %masked_cumsum3A_234 = tpu.scan <sum>, %add3A_231 masked %broadcast_in_dim3A_233 : vector<16xf32>, vector<16xi1> -> vector<16xf32>
      %swap3A_235 = arith.index_cast %add3A_216 : i32 to index
      %swap3A_236 = tpu.vector_load %arg11[%swap3A_235] masked %eq3A_162 {strides = array<i32>} : memref<528xf32, #tpu.memory_space<vmem>>, vector<16xf32>, vector<16xi1>
      tpu.vector_store %arg11[%swap3A_235], %masked_cumsum3A_234 masked %eq3A_162 {strides = array<i32>} : memref<528xf32, #tpu.memory_space<vmem>>, vector<16xf32>, vector<16xi1>
      %mul3A_237 = arith.constant 16 : i32
      %mul3A_238 = arith.muli %scan3A_168, %mul3A_237 : i32
      %add3A_239 = arith.constant 3 : i32
      %add3A_240 = arith.addi %mul3A_238, %add3A_239 : i32
      %get3A_241 = arith.index_cast %add3A_240 : i32 to index
      %get3A_242 = arith.constant 0 : index
      %get3A_243 = tpu.vector_load %arg9[%get3A_241, %get3A_242] {strides = array<i32>} : memref<512x32xf32, #tpu.memory_space<vmem>>, vector<16xf32>,
      %get3A_244 = arith.index_cast %add3A_240 : i32 to index
      %get3A_245 = arith.constant 16 : index
      %get3A_246 = tpu.vector_load %arg9[%get3A_244, %get3A_245] {strides = array<i32>} : memref<512x32xf32, #tpu.memory_space<vmem>>, vector<16xf32>,
      %get3A_247 = arith.index_cast %add3A_240 : i32 to index
      %get3A_248 = arith.constant 0 : index
      %get3A_249 = tpu.vector_load %arg10[%get3A_247, %get3A_248] {strides = array<i32>} : memref<512x32xf32, #tpu.memory_space<vmem>>, vector<16xf32>,
      %get3A_250 = arith.index_cast %add3A_240 : i32 to index
      %get3A_251 = arith.constant 16 : index
      %get3A_252 = tpu.vector_load %arg10[%get3A_250, %get3A_251] {strides = array<i32>} : memref<512x32xf32, #tpu.memory_space<vmem>>, vector<16xf32>,
      %mul3A_253 = arith.mulf %get3A_243, %get3A_249 : vector<16xf32>
      %mul3A_254 = arith.mulf %get3A_246, %get3A_252 : vector<16xf32>
      %add3A_255 = arith.addf %mul3A_253, %mul3A_254 : vector<16xf32>
      %broadcast_in_dim3A_256 = arith.constant true
      %broadcast_in_dim3A_257 = vector.broadcast %broadcast_in_dim3A_256 : i1 to vector<16xi1>
      %masked_cumsum3A_258 = tpu.scan <sum>, %add3A_255 masked %broadcast_in_dim3A_257 : vector<16xf32>, vector<16xi1> -> vector<16xf32>
      %swap3A_259 = arith.index_cast %add3A_240 : i32 to index
      %swap3A_260 = tpu.vector_load %arg11[%swap3A_259] masked %eq3A_162 {strides = array<i32>} : memref<528xf32, #tpu.memory_space<vmem>>, vector<16xf32>, vector<16xi1>
      tpu.vector_store %arg11[%swap3A_259], %masked_cumsum3A_258 masked %eq3A_162 {strides = array<i32>} : memref<528xf32, #tpu.memory_space<vmem>>, vector<16xf32>, vector<16xi1>
      %mul3A_261 = arith.constant 16 : i32
      %mul3A_262 = arith.muli %scan3A_168, %mul3A_261 : i32
      %add3A_263 = arith.constant 4 : i32
      %add3A_264 = arith.addi %mul3A_262, %add3A_263 : i32
      %get3A_265 = arith.index_cast %add3A_264 : i32 to index
      %get3A_266 = arith.constant 0 : index
      %get3A_267 = tpu.vector_load %arg9[%get3A_265, %get3A_266] {strides = array<i32>} : memref<512x32xf32, #tpu.memory_space<vmem>>, vector<16xf32>,
      %get3A_268 = arith.index_cast %add3A_264 : i32 to index
      %get3A_269 = arith.constant 16 : index
      %get3A_270 = tpu.vector_load %arg9[%get3A_268, %get3A_269] {strides = array<i32>} : memref<512x32xf32, #tpu.memory_space<vmem>>, vector<16xf32>,
      %get3A_271 = arith.index_cast %add3A_264 : i32 to index
      %get3A_272 = arith.constant 0 : index
      %get3A_273 = tpu.vector_load %arg10[%get3A_271, %get3A_272] {strides = array<i32>} : memref<512x32xf32, #tpu.memory_space<vmem>>, vector<16xf32>,
      %get3A_274 = arith.index_cast %add3A_264 : i32 to index
      %get3A_275 = arith.constant 16 : index
      %get3A_276 = tpu.vector_load %arg10[%get3A_274, %get3A_275] {strides = array<i32>} : memref<512x32xf32, #tpu.memory_space<vmem>>, vector<16xf32>,
      %mul3A_277 = arith.mulf %get3A_267, %get3A_273 : vector<16xf32>
      %mul3A_278 = arith.mulf %get3A_270, %get3A_276 : vector<16xf32>
      %add3A_279 = arith.addf %mul3A_277, %mul3A_278 : vector<16xf32>
      %broadcast_in_dim3A_280 = arith.constant true
      %broadcast_in_dim3A_281 = vector.broadcast %broadcast_in_dim3A_280 : i1 to vector<16xi1>
      %masked_cumsum3A_282 = tpu.scan <sum>, %add3A_279 masked %broadcast_in_dim3A_281 : vector<16xf32>, vector<16xi1> -> vector<16xf32>
      %swap3A_283 = arith.index_cast %add3A_264 : i32 to index
      %swap3A_284 = tpu.vector_load %arg11[%swap3A_283] masked %eq3A_162 {strides = array<i32>} : memref<528xf32, #tpu.memory_space<vmem>>, vector<16xf32>, vector<16xi1>
      tpu.vector_store %arg11[%swap3A_283], %masked_cumsum3A_282 masked %eq3A_162 {strides = array<i32>} : memref<528xf32, #tpu.memory_space<vmem>>, vector<16xf32>, vector<16xi1>
      %mul3A_285 = arith.constant 16 : i32
      %mul3A_286 = arith.muli %scan3A_168, %mul3A_285 : i32
      %add3A_287 = arith.constant 5 : i32
      %add3A_288 = arith.addi %mul3A_286, %add3A_287 : i32
      %get3A_289 = arith.index_cast %add3A_288 : i32 to index
      %get3A_290 = arith.constant 0 : index
      %get3A_291 = tpu.vector_load %arg9[%get3A_289, %get3A_290] {strides = array<i32>} : memref<512x32xf32, #tpu.memory_space<vmem>>, vector<16xf32>,
      %get3A_292 = arith.index_cast %add3A_288 : i32 to index
      %get3A_293 = arith.constant 16 : index
      %get3A_294 = tpu.vector_load %arg9[%get3A_292, %get3A_293] {strides = array<i32>} : memref<512x32xf32, #tpu.memory_space<vmem>>, vector<16xf32>,
      %get3A_295 = arith.index_cast %add3A_288 : i32 to index
      %get3A_296 = arith.constant 0 : index
      %get3A_297 = tpu.vector_load %arg10[%get3A_295, %get3A_296] {strides = array<i32>} : memref<512x32xf32, #tpu.memory_space<vmem>>, vector<16xf32>,
      %get3A_298 = arith.index_cast %add3A_288 : i32 to index
      %get3A_299 = arith.constant 16 : index
      %get3A_300 = tpu.vector_load %arg10[%get3A_298, %get3A_299] {strides = array<i32>} : memref<512x32xf32, #tpu.memory_space<vmem>>, vector<16xf32>,
      %mul3A_301 = arith.mulf %get3A_291, %get3A_297 : vector<16xf32>
      %mul3A_302 = arith.mulf %get3A_294, %get3A_300 : vector<16xf32>
      %add3A_303 = arith.addf %mul3A_301, %mul3A_302 : vector<16xf32>
      %broadcast_in_dim3A_304 = arith.constant true
      %broadcast_in_dim3A_305 = vector.broadcast %broadcast_in_dim3A_304 : i1 to vector<16xi1>
      %masked_cumsum3A_306 = tpu.scan <sum>, %add3A_303 masked %broadcast_in_dim3A_305 : vector<16xf32>, vector<16xi1> -> vector<16xf32>
      %swap3A_307 = arith.index_cast %add3A_288 : i32 to index
      %swap3A_308 = tpu.vector_load %arg11[%swap3A_307] masked %eq3A_162 {strides = array<i32>} : memref<528xf32, #tpu.memory_space<vmem>>, vector<16xf32>, vector<16xi1>
      tpu.vector_store %arg11[%swap3A_307], %masked_cumsum3A_306 masked %eq3A_162 {strides = array<i32>} : memref<528xf32, #tpu.memory_space<vmem>>, vector<16xf32>, vector<16xi1>
      %mul3A_309 = arith.constant 16 : i32
      %mul3A_310 = arith.muli %scan3A_168, %mul3A_309 : i32
      %add3A_311 = arith.constant 6 : i32
      %add3A_312 = arith.addi %mul3A_310, %add3A_311 : i32
      %get3A_313 = arith.index_cast %add3A_312 : i32 to index
      %get3A_314 = arith.constant 0 : index
      %get3A_315 = tpu.vector_load %arg9[%get3A_313, %get3A_314] {strides = array<i32>} : memref<512x32xf32, #tpu.memory_space<vmem>>, vector<16xf32>,
      %get3A_316 = arith.index_cast %add3A_312 : i32 to index
      %get3A_317 = arith.constant 16 : index
      %get3A_318 = tpu.vector_load %arg9[%get3A_316, %get3A_317] {strides = array<i32>} : memref<512x32xf32, #tpu.memory_space<vmem>>, vector<16xf32>,
      %get3A_319 = arith.index_cast %add3A_312 : i32 to index
      %get3A_320 = arith.constant 0 : index
      %get3A_321 = tpu.vector_load %arg10[%get3A_319, %get3A_320] {strides = array<i32>} : memref<512x32xf32, #tpu.memory_space<vmem>>, vector<16xf32>,
      %get3A_322 = arith.index_cast %add3A_312 : i32 to index
      %get3A_323 = arith.constant 16 : index
      %get3A_324 = tpu.vector_load %arg10[%get3A_322, %get3A_323] {strides = array<i32>} : memref<512x32xf32, #tpu.memory_space<vmem>>, vector<16xf32>,
      %mul3A_325 = arith.mulf %get3A_315, %get3A_321 : vector<16xf32>
      %mul3A_326 = arith.mulf %get3A_318, %get3A_324 : vector<16xf32>
      %add3A_327 = arith.addf %mul3A_325, %mul3A_326 : vector<16xf32>
      %broadcast_in_dim3A_328 = arith.constant true
      %broadcast_in_dim3A_329 = vector.broadcast %broadcast_in_dim3A_328 : i1 to vector<16xi1>
      %masked_cumsum3A_330 = tpu.scan <sum>, %add3A_327 masked %broadcast_in_dim3A_329 : vector<16xf32>, vector<16xi1> -> vector<16xf32>
      %swap3A_331 = arith.index_cast %add3A_312 : i32 to index
      %swap3A_332 = tpu.vector_load %arg11[%swap3A_331] masked %eq3A_162 {strides = array<i32>} : memref<528xf32, #tpu.memory_space<vmem>>, vector<16xf32>, vector<16xi1>
      tpu.vector_store %arg11[%swap3A_331], %masked_cumsum3A_330 masked %eq3A_162 {strides = array<i32>} : memref<528xf32, #tpu.memory_space<vmem>>, vector<16xf32>, vector<16xi1>
      %mul3A_333 = arith.constant 16 : i32
      %mul3A_334 = arith.muli %scan3A_168, %mul3A_333 : i32
      %add3A_335 = arith.constant 7 : i32
      %add3A_336 = arith.addi %mul3A_334, %add3A_335 : i32
      %get3A_337 = arith.index_cast %add3A_336 : i32 to index
      %get3A_338 = arith.constant 0 : index
      %get3A_339 = tpu.vector_load %arg9[%get3A_337, %get3A_338] {strides = array<i32>} : memref<512x32xf32, #tpu.memory_space<vmem>>, vector<16xf32>,
      %get3A_340 = arith.index_cast %add3A_336 : i32 to index
      %get3A_341 = arith.constant 16 : index
      %get3A_342 = tpu.vector_load %arg9[%get3A_340, %get3A_341] {strides = array<i32>} : memref<512x32xf32, #tpu.memory_space<vmem>>, vector<16xf32>,
      %get3A_343 = arith.index_cast %add3A_336 : i32 to index
      %get3A_344 = arith.constant 0 : index
      %get3A_345 = tpu.vector_load %arg10[%get3A_343, %get3A_344] {strides = array<i32>} : memref<512x32xf32, #tpu.memory_space<vmem>>, vector<16xf32>,
      %get3A_346 = arith.index_cast %add3A_336 : i32 to index
      %get3A_347 = arith.constant 16 : index
      %get3A_348 = tpu.vector_load %arg10[%get3A_346, %get3A_347] {strides = array<i32>} : memref<512x32xf32, #tpu.memory_space<vmem>>, vector<16xf32>,
      %mul3A_349 = arith.mulf %get3A_339, %get3A_345 : vector<16xf32>
      %mul3A_350 = arith.mulf %get3A_342, %get3A_348 : vector<16xf32>
      %add3A_351 = arith.addf %mul3A_349, %mul3A_350 : vector<16xf32>
      %broadcast_in_dim3A_352 = arith.constant true
      %broadcast_in_dim3A_353 = vector.broadcast %broadcast_in_dim3A_352 : i1 to vector<16xi1>
      %masked_cumsum3A_354 = tpu.scan <sum>, %add3A_351 masked %broadcast_in_dim3A_353 : vector<16xf32>, vector<16xi1> -> vector<16xf32>
      %swap3A_355 = arith.index_cast %add3A_336 : i32 to index
      %swap3A_356 = tpu.vector_load %arg11[%swap3A_355] masked %eq3A_162 {strides = array<i32>} : memref<528xf32, #tpu.memory_space<vmem>>, vector<16xf32>, vector<16xi1>
      tpu.vector_store %arg11[%swap3A_355], %masked_cumsum3A_354 masked %eq3A_162 {strides = array<i32>} : memref<528xf32, #tpu.memory_space<vmem>>, vector<16xf32>, vector<16xi1>
      %mul3A_357 = arith.constant 16 : i32
      %mul3A_358 = arith.muli %scan3A_168, %mul3A_357 : i32
      %add3A_359 = arith.constant 8 : i32
      %add3A_360 = arith.addi %mul3A_358, %add3A_359 : i32
      %get3A_361 = arith.index_cast %add3A_360 : i32 to index
      %get3A_362 = arith.constant 0 : index
      %get3A_363 = tpu.vector_load %arg9[%get3A_361, %get3A_362] {strides = array<i32>} : memref<512x32xf32, #tpu.memory_space<vmem>>, vector<16xf32>,
      %get3A_364 = arith.index_cast %add3A_360 : i32 to index
      %get3A_365 = arith.constant 16 : index
      %get3A_366 = tpu.vector_load %arg9[%get3A_364, %get3A_365] {strides = array<i32>} : memref<512x32xf32, #tpu.memory_space<vmem>>, vector<16xf32>,
      %get3A_367 = arith.index_cast %add3A_360 : i32 to index
      %get3A_368 = arith.constant 0 : index
      %get3A_369 = tpu.vector_load %arg10[%get3A_367, %get3A_368] {strides = array<i32>} : memref<512x32xf32, #tpu.memory_space<vmem>>, vector<16xf32>,
      %get3A_370 = arith.index_cast %add3A_360 : i32 to index
      %get3A_371 = arith.constant 16 : index
      %get3A_372 = tpu.vector_load %arg10[%get3A_370, %get3A_371] {strides = array<i32>} : memref<512x32xf32, #tpu.memory_space<vmem>>, vector<16xf32>,
      %mul3A_373 = arith.mulf %get3A_363, %get3A_369 : vector<16xf32>
      %mul3A_374 = arith.mulf %get3A_366, %get3A_372 : vector<16xf32>
      %add3A_375 = arith.addf %mul3A_373, %mul3A_374 : vector<16xf32>
      %broadcast_in_dim3A_376 = arith.constant true
      %broadcast_in_dim3A_377 = vector.broadcast %broadcast_in_dim3A_376 : i1 to vector<16xi1>
      %masked_cumsum3A_378 = tpu.scan <sum>, %add3A_375 masked %broadcast_in_dim3A_377 : vector<16xf32>, vector<16xi1> -> vector<16xf32>
      %swap3A_379 = arith.index_cast %add3A_360 : i32 to index
      %swap3A_380 = tpu.vector_load %arg11[%swap3A_379] masked %eq3A_162 {strides = array<i32>} : memref<528xf32, #tpu.memory_space<vmem>>, vector<16xf32>, vector<16xi1>
      tpu.vector_store %arg11[%swap3A_379], %masked_cumsum3A_378 masked %eq3A_162 {strides = array<i32>} : memref<528xf32, #tpu.memory_space<vmem>>, vector<16xf32>, vector<16xi1>
      %mul3A_381 = arith.constant 16 : i32
      %mul3A_382 = arith.muli %scan3A_168, %mul3A_381 : i32
      %add3A_383 = arith.constant 9 : i32
      %add3A_384 = arith.addi %mul3A_382, %add3A_383 : i32
      %get3A_385 = arith.index_cast %add3A_384 : i32 to index
      %get3A_386 = arith.constant 0 : index
      %get3A_387 = tpu.vector_load %arg9[%get3A_385, %get3A_386] {strides = array<i32>} : memref<512x32xf32, #tpu.memory_space<vmem>>, vector<16xf32>,
      %get3A_388 = arith.index_cast %add3A_384 : i32 to index
      %get3A_389 = arith.constant 16 : index
      %get3A_390 = tpu.vector_load %arg9[%get3A_388, %get3A_389] {strides = array<i32>} : memref<512x32xf32, #tpu.memory_space<vmem>>, vector<16xf32>,
      %get3A_391 = arith.index_cast %add3A_384 : i32 to index
      %get3A_392 = arith.constant 0 : index
      %get3A_393 = tpu.vector_load %arg10[%get3A_391, %get3A_392] {strides = array<i32>} : memref<512x32xf32, #tpu.memory_space<vmem>>, vector<16xf32>,
      %get3A_394 = arith.index_cast %add3A_384 : i32 to index
      %get3A_395 = arith.constant 16 : index
      %get3A_396 = tpu.vector_load %arg10[%get3A_394, %get3A_395] {strides = array<i32>} : memref<512x32xf32, #tpu.memory_space<vmem>>, vector<16xf32>,
      %mul3A_397 = arith.mulf %get3A_387, %get3A_393 : vector<16xf32>
      %mul3A_398 = arith.mulf %get3A_390, %get3A_396 : vector<16xf32>
      %add3A_399 = arith.addf %mul3A_397, %mul3A_398 : vector<16xf32>
      %broadcast_in_dim3A_400 = arith.constant true
      %broadcast_in_dim3A_401 = vector.broadcast %broadcast_in_dim3A_400 : i1 to vector<16xi1>
      %masked_cumsum3A_402 = tpu.scan <sum>, %add3A_399 masked %broadcast_in_dim3A_401 : vector<16xf32>, vector<16xi1> -> vector<16xf32>
      %swap3A_403 = arith.index_cast %add3A_384 : i32 to index
      %swap3A_404 = tpu.vector_load %arg11[%swap3A_403] masked %eq3A_162 {strides = array<i32>} : memref<528xf32, #tpu.memory_space<vmem>>, vector<16xf32>, vector<16xi1>
      tpu.vector_store %arg11[%swap3A_403], %masked_cumsum3A_402 masked %eq3A_162 {strides = array<i32>} : memref<528xf32, #tpu.memory_space<vmem>>, vector<16xf32>, vector<16xi1>
      %mul3A_405 = arith.constant 16 : i32
      %mul3A_406 = arith.muli %scan3A_168, %mul3A_405 : i32
      %add3A_407 = arith.constant 10 : i32
      %add3A_408 = arith.addi %mul3A_406, %add3A_407 : i32
      %get3A_409 = arith.index_cast %add3A_408 : i32 to index
      %get3A_410 = arith.constant 0 : index
      %get3A_411 = tpu.vector_load %arg9[%get3A_409, %get3A_410] {strides = array<i32>} : memref<512x32xf32, #tpu.memory_space<vmem>>, vector<16xf32>,
      %get3A_412 = arith.index_cast %add3A_408 : i32 to index
      %get3A_413 = arith.constant 16 : index
      %get3A_414 = tpu.vector_load %arg9[%get3A_412, %get3A_413] {strides = array<i32>} : memref<512x32xf32, #tpu.memory_space<vmem>>, vector<16xf32>,
      %get3A_415 = arith.index_cast %add3A_408 : i32 to index
      %get3A_416 = arith.constant 0 : index
      %get3A_417 = tpu.vector_load %arg10[%get3A_415, %get3A_416] {strides = array<i32>} : memref<512x32xf32, #tpu.memory_space<vmem>>, vector<16xf32>,
      %get3A_418 = arith.index_cast %add3A_408 : i32 to index
      %get3A_419 = arith.constant 16 : index
      %get3A_420 = tpu.vector_load %arg10[%get3A_418, %get3A_419] {strides = array<i32>} : memref<512x32xf32, #tpu.memory_space<vmem>>, vector<16xf32>,
      %mul3A_421 = arith.mulf %get3A_411, %get3A_417 : vector<16xf32>
      %mul3A_422 = arith.mulf %get3A_414, %get3A_420 : vector<16xf32>
      %add3A_423 = arith.addf %mul3A_421, %mul3A_422 : vector<16xf32>
      %broadcast_in_dim3A_424 = arith.constant true
      %broadcast_in_dim3A_425 = vector.broadcast %broadcast_in_dim3A_424 : i1 to vector<16xi1>
      %masked_cumsum3A_426 = tpu.scan <sum>, %add3A_423 masked %broadcast_in_dim3A_425 : vector<16xf32>, vector<16xi1> -> vector<16xf32>
      %swap3A_427 = arith.index_cast %add3A_408 : i32 to index
      %swap3A_428 = tpu.vector_load %arg11[%swap3A_427] masked %eq3A_162 {strides = array<i32>} : memref<528xf32, #tpu.memory_space<vmem>>, vector<16xf32>, vector<16xi1>
      tpu.vector_store %arg11[%swap3A_427], %masked_cumsum3A_426 masked %eq3A_162 {strides = array<i32>} : memref<528xf32, #tpu.memory_space<vmem>>, vector<16xf32>, vector<16xi1>
      %mul3A_429 = arith.constant 16 : i32
      %mul3A_430 = arith.muli %scan3A_168, %mul3A_429 : i32
      %add3A_431 = arith.constant 11 : i32
      %add3A_432 = arith.addi %mul3A_430, %add3A_431 : i32
      %get3A_433 = arith.index_cast %add3A_432 : i32 to index
      %get3A_434 = arith.constant 0 : index
      %get3A_435 = tpu.vector_load %arg9[%get3A_433, %get3A_434] {strides = array<i32>} : memref<512x32xf32, #tpu.memory_space<vmem>>, vector<16xf32>,
      %get3A_436 = arith.index_cast %add3A_432 : i32 to index
      %get3A_437 = arith.constant 16 : index
      %get3A_438 = tpu.vector_load %arg9[%get3A_436, %get3A_437] {strides = array<i32>} : memref<512x32xf32, #tpu.memory_space<vmem>>, vector<16xf32>,
      %get3A_439 = arith.index_cast %add3A_432 : i32 to index
      %get3A_440 = arith.constant 0 : index
      %get3A_441 = tpu.vector_load %arg10[%get3A_439, %get3A_440] {strides = array<i32>} : memref<512x32xf32, #tpu.memory_space<vmem>>, vector<16xf32>,
      %get3A_442 = arith.index_cast %add3A_432 : i32 to index
      %get3A_443 = arith.constant 16 : index
      %get3A_444 = tpu.vector_load %arg10[%get3A_442, %get3A_443] {strides = array<i32>} : memref<512x32xf32, #tpu.memory_space<vmem>>, vector<16xf32>,
      %mul3A_445 = arith.mulf %get3A_435, %get3A_441 : vector<16xf32>
      %mul3A_446 = arith.mulf %get3A_438, %get3A_444 : vector<16xf32>
      %add3A_447 = arith.addf %mul3A_445, %mul3A_446 : vector<16xf32>
      %broadcast_in_dim3A_448 = arith.constant true
      %broadcast_in_dim3A_449 = vector.broadcast %broadcast_in_dim3A_448 : i1 to vector<16xi1>
      %masked_cumsum3A_450 = tpu.scan <sum>, %add3A_447 masked %broadcast_in_dim3A_449 : vector<16xf32>, vector<16xi1> -> vector<16xf32>
      %swap3A_451 = arith.index_cast %add3A_432 : i32 to index
      %swap3A_452 = tpu.vector_load %arg11[%swap3A_451] masked %eq3A_162 {strides = array<i32>} : memref<528xf32, #tpu.memory_space<vmem>>, vector<16xf32>, vector<16xi1>
      tpu.vector_store %arg11[%swap3A_451], %masked_cumsum3A_450 masked %eq3A_162 {strides = array<i32>} : memref<528xf32, #tpu.memory_space<vmem>>, vector<16xf32>, vector<16xi1>
      %mul3A_453 = arith.constant 16 : i32
      %mul3A_454 = arith.muli %scan3A_168, %mul3A_453 : i32
      %add3A_455 = arith.constant 12 : i32
      %add3A_456 = arith.addi %mul3A_454, %add3A_455 : i32
      %get3A_457 = arith.index_cast %add3A_456 : i32 to index
      %get3A_458 = arith.constant 0 : index
      %get3A_459 = tpu.vector_load %arg9[%get3A_457, %get3A_458] {strides = array<i32>} : memref<512x32xf32, #tpu.memory_space<vmem>>, vector<16xf32>,
      %get3A_460 = arith.index_cast %add3A_456 : i32 to index
      %get3A_461 = arith.constant 16 : index
      %get3A_462 = tpu.vector_load %arg9[%get3A_460, %get3A_461] {strides = array<i32>} : memref<512x32xf32, #tpu.memory_space<vmem>>, vector<16xf32>,
      %get3A_463 = arith.index_cast %add3A_456 : i32 to index
      %get3A_464 = arith.constant 0 : index
      %get3A_465 = tpu.vector_load %arg10[%get3A_463, %get3A_464] {strides = array<i32>} : memref<512x32xf32, #tpu.memory_space<vmem>>, vector<16xf32>,
      %get3A_466 = arith.index_cast %add3A_456 : i32 to index
      %get3A_467 = arith.constant 16 : index
      %get3A_468 = tpu.vector_load %arg10[%get3A_466, %get3A_467] {strides = array<i32>} : memref<512x32xf32, #tpu.memory_space<vmem>>, vector<16xf32>,
      %mul3A_469 = arith.mulf %get3A_459, %get3A_465 : vector<16xf32>
      %mul3A_470 = arith.mulf %get3A_462, %get3A_468 : vector<16xf32>
      %add3A_471 = arith.addf %mul3A_469, %mul3A_470 : vector<16xf32>
      %broadcast_in_dim3A_472 = arith.constant true
      %broadcast_in_dim3A_473 = vector.broadcast %broadcast_in_dim3A_472 : i1 to vector<16xi1>
      %masked_cumsum3A_474 = tpu.scan <sum>, %add3A_471 masked %broadcast_in_dim3A_473 : vector<16xf32>, vector<16xi1> -> vector<16xf32>
      %swap3A_475 = arith.index_cast %add3A_456 : i32 to index
      %swap3A_476 = tpu.vector_load %arg11[%swap3A_475] masked %eq3A_162 {strides = array<i32>} : memref<528xf32, #tpu.memory_space<vmem>>, vector<16xf32>, vector<16xi1>
      tpu.vector_store %arg11[%swap3A_475], %masked_cumsum3A_474 masked %eq3A_162 {strides = array<i32>} : memref<528xf32, #tpu.memory_space<vmem>>, vector<16xf32>, vector<16xi1>
      %mul3A_477 = arith.constant 16 : i32
      %mul3A_478 = arith.muli %scan3A_168, %mul3A_477 : i32
      %add3A_479 = arith.constant 13 : i32
      %add3A_480 = arith.addi %mul3A_478, %add3A_479 : i32
      %get3A_481 = arith.index_cast %add3A_480 : i32 to index
      %get3A_482 = arith.constant 0 : index
      %get3A_483 = tpu.vector_load %arg9[%get3A_481, %get3A_482] {strides = array<i32>} : memref<512x32xf32, #tpu.memory_space<vmem>>, vector<16xf32>,
      %get3A_484 = arith.index_cast %add3A_480 : i32 to index
      %get3A_485 = arith.constant 16 : index
      %get3A_486 = tpu.vector_load %arg9[%get3A_484, %get3A_485] {strides = array<i32>} : memref<512x32xf32, #tpu.memory_space<vmem>>, vector<16xf32>,
      %get3A_487 = arith.index_cast %add3A_480 : i32 to index
      %get3A_488 = arith.constant 0 : index
      %get3A_489 = tpu.vector_load %arg10[%get3A_487, %get3A_488] {strides = array<i32>} : memref<512x32xf32, #tpu.memory_space<vmem>>, vector<16xf32>,
      %get3A_490 = arith.index_cast %add3A_480 : i32 to index
      %get3A_491 = arith.constant 16 : index
      %get3A_492 = tpu.vector_load %arg10[%get3A_490, %get3A_491] {strides = array<i32>} : memref<512x32xf32, #tpu.memory_space<vmem>>, vector<16xf32>,
      %mul3A_493 = arith.mulf %get3A_483, %get3A_489 : vector<16xf32>
      %mul3A_494 = arith.mulf %get3A_486, %get3A_492 : vector<16xf32>
      %add3A_495 = arith.addf %mul3A_493, %mul3A_494 : vector<16xf32>
      %broadcast_in_dim3A_496 = arith.constant true
      %broadcast_in_dim3A_497 = vector.broadcast %broadcast_in_dim3A_496 : i1 to vector<16xi1>
      %masked_cumsum3A_498 = tpu.scan <sum>, %add3A_495 masked %broadcast_in_dim3A_497 : vector<16xf32>, vector<16xi1> -> vector<16xf32>
      %swap3A_499 = arith.index_cast %add3A_480 : i32 to index
      %swap3A_500 = tpu.vector_load %arg11[%swap3A_499] masked %eq3A_162 {strides = array<i32>} : memref<528xf32, #tpu.memory_space<vmem>>, vector<16xf32>, vector<16xi1>
      tpu.vector_store %arg11[%swap3A_499], %masked_cumsum3A_498 masked %eq3A_162 {strides = array<i32>} : memref<528xf32, #tpu.memory_space<vmem>>, vector<16xf32>, vector<16xi1>
      %mul3A_501 = arith.constant 16 : i32
      %mul3A_502 = arith.muli %scan3A_168, %mul3A_501 : i32
      %add3A_503 = arith.constant 14 : i32
      %add3A_504 = arith.addi %mul3A_502, %add3A_503 : i32
      %get3A_505 = arith.index_cast %add3A_504 : i32 to index
      %get3A_506 = arith.constant 0 : index
      %get3A_507 = tpu.vector_load %arg9[%get3A_505, %get3A_506] {strides = array<i32>} : memref<512x32xf32, #tpu.memory_space<vmem>>, vector<16xf32>,
      %get3A_508 = arith.index_cast %add3A_504 : i32 to index
      %get3A_509 = arith.constant 16 : index
      %get3A_510 = tpu.vector_load %arg9[%get3A_508, %get3A_509] {strides = array<i32>} : memref<512x32xf32, #tpu.memory_space<vmem>>, vector<16xf32>,
      %get3A_511 = arith.index_cast %add3A_504 : i32 to index
      %get3A_512 = arith.constant 0 : index
      %get3A_513 = tpu.vector_load %arg10[%get3A_511, %get3A_512] {strides = array<i32>} : memref<512x32xf32, #tpu.memory_space<vmem>>, vector<16xf32>,
      %get3A_514 = arith.index_cast %add3A_504 : i32 to index
      %get3A_515 = arith.constant 16 : index
      %get3A_516 = tpu.vector_load %arg10[%get3A_514, %get3A_515] {strides = array<i32>} : memref<512x32xf32, #tpu.memory_space<vmem>>, vector<16xf32>,
      %mul3A_517 = arith.mulf %get3A_507, %get3A_513 : vector<16xf32>
      %mul3A_518 = arith.mulf %get3A_510, %get3A_516 : vector<16xf32>
      %add3A_519 = arith.addf %mul3A_517, %mul3A_518 : vector<16xf32>
      %broadcast_in_dim3A_520 = arith.constant true
      %broadcast_in_dim3A_521 = vector.broadcast %broadcast_in_dim3A_520 : i1 to vector<16xi1>
      %masked_cumsum3A_522 = tpu.scan <sum>, %add3A_519 masked %broadcast_in_dim3A_521 : vector<16xf32>, vector<16xi1> -> vector<16xf32>
      %swap3A_523 = arith.index_cast %add3A_504 : i32 to index
      %swap3A_524 = tpu.vector_load %arg11[%swap3A_523] masked %eq3A_162 {strides = array<i32>} : memref<528xf32, #tpu.memory_space<vmem>>, vector<16xf32>, vector<16xi1>
      tpu.vector_store %arg11[%swap3A_523], %masked_cumsum3A_522 masked %eq3A_162 {strides = array<i32>} : memref<528xf32, #tpu.memory_space<vmem>>, vector<16xf32>, vector<16xi1>
      %mul3A_525 = arith.constant 16 : i32
      %mul3A_526 = arith.muli %scan3A_168, %mul3A_525 : i32
      %add3A_527 = arith.constant 15 : i32
      %add3A_528 = arith.addi %mul3A_526, %add3A_527 : i32
      %get3A_529 = arith.index_cast %add3A_528 : i32 to index
      %get3A_530 = arith.constant 0 : index
      %get3A_531 = tpu.vector_load %arg9[%get3A_529, %get3A_530] {strides = array<i32>} : memref<512x32xf32, #tpu.memory_space<vmem>>, vector<16xf32>,
      %get3A_532 = arith.index_cast %add3A_528 : i32 to index
      %get3A_533 = arith.constant 16 : index
      %get3A_534 = tpu.vector_load %arg9[%get3A_532, %get3A_533] {strides = array<i32>} : memref<512x32xf32, #tpu.memory_space<vmem>>, vector<16xf32>,
      %get3A_535 = arith.index_cast %add3A_528 : i32 to index
      %get3A_536 = arith.constant 0 : index
      %get3A_537 = tpu.vector_load %arg10[%get3A_535, %get3A_536] {strides = array<i32>} : memref<512x32xf32, #tpu.memory_space<vmem>>, vector<16xf32>,
      %get3A_538 = arith.index_cast %add3A_528 : i32 to index
      %get3A_539 = arith.constant 16 : index
      %get3A_540 = tpu.vector_load %arg10[%get3A_538, %get3A_539] {strides = array<i32>} : memref<512x32xf32, #tpu.memory_space<vmem>>, vector<16xf32>,
      %mul3A_541 = arith.mulf %get3A_531, %get3A_537 : vector<16xf32>
      %mul3A_542 = arith.mulf %get3A_534, %get3A_540 : vector<16xf32>
      %add3A_543 = arith.addf %mul3A_541, %mul3A_542 : vector<16xf32>
      %broadcast_in_dim3A_544 = arith.constant true
      %broadcast_in_dim3A_545 = vector.broadcast %broadcast_in_dim3A_544 : i1 to vector<16xi1>
      %masked_cumsum3A_546 = tpu.scan <sum>, %add3A_543 masked %broadcast_in_dim3A_545 : vector<16xf32>, vector<16xi1> -> vector<16xf32>
      %swap3A_547 = arith.index_cast %add3A_528 : i32 to index
      %swap3A_548 = tpu.vector_load %arg11[%swap3A_547] masked %eq3A_162 {strides = array<i32>} : memref<528xf32, #tpu.memory_space<vmem>>, vector<16xf32>, vector<16xi1>
      tpu.vector_store %arg11[%swap3A_547], %masked_cumsum3A_546 masked %eq3A_162 {strides = array<i32>} : memref<528xf32, #tpu.memory_space<vmem>>, vector<16xf32>, vector<16xi1>
    }
    %scan3A_167 = arith.constant 32 : i32
    "tpu.region"() ({
      %run_scoped3A = tpu.sem_alloc : memref<!tpu.dma_semaphore, #tpu.memory_space<semaphore_mem>>
      %dma_start3A_168 = arith.constant 0 : i32
      %dma_start3A_169 = tpu.memref_slice %arg11[%dma_start3A_168] : memref<528xf32, #tpu.memory_space<vmem>> -> memref<512xf32, #tpu.memory_space<vmem>>
      %dma_start3A_170 = tpu.memref_slice %arg6[%mul3A_2] : memref<16384xf32, #tpu.memory_space<hbm>> -> memref<512xf32, #tpu.memory_space<hbm>>
      %dma_start3A_171 = tpu.memref_slice %arg6[%mul3A_2] : memref<16384xf32, #tpu.memory_space<hbm>> -> memref<512xf32, #tpu.memory_space<hbm>>
      %dma_start3A_172 = arith.constant 0 : i32
      %dma_start3A_173 = tpu.memref_slice %arg11[%dma_start3A_172] : memref<528xf32, #tpu.memory_space<vmem>> -> memref<512xf32, #tpu.memory_space<vmem>>
      tpu.enqueue_dma source(%dma_start3A_173 : memref<512xf32, #tpu.memory_space<vmem>>) target(%dma_start3A_171 : memref<512xf32, #tpu.memory_space<hbm>>) target_semaphore(%run_scoped3A : memref<!tpu.dma_semaphore, #tpu.memory_space<semaphore_mem>>)
      %dma_wait3A_174 = arith.constant 0 : i32
      %dma_wait3A_175 = tpu.memref_slice %arg11[%dma_wait3A_174] : memref<528xf32, #tpu.memory_space<vmem>> -> memref<512xf32, #tpu.memory_space<vmem>>
      %dma_wait3A_176 = tpu.memref_slice %arg6[%mul3A_2] : memref<16384xf32, #tpu.memory_space<hbm>> -> memref<512xf32, #tpu.memory_space<hbm>>
      %dma_wait3A_177 = tpu.memref_slice %arg6[%mul3A_2] : memref<16384xf32, #tpu.memory_space<hbm>> -> memref<512xf32, #tpu.memory_space<hbm>>
      %dma_wait3A_178 = arith.constant 0 : i32
      %dma_wait3A_179 = tpu.memref_slice %arg11[%dma_wait3A_178] : memref<528xf32, #tpu.memory_space<vmem>> -> memref<512xf32, #tpu.memory_space<vmem>>
      tpu.wait_dma2 semaphore(%run_scoped3A : memref<!tpu.dma_semaphore, #tpu.memory_space<semaphore_mem>>) src(%dma_wait3A_179 : memref<512xf32, #tpu.memory_space<vmem>>) dst(%dma_wait3A_177 : memref<512xf32, #tpu.memory_space<hbm>>)
      tpu.yield
    }) : () -> ()
    return
  }
}

</mosaic_0001>

<sc_bundles>
// kernel: kernel.3.cloned.1.call-start
scs
__scs_entry_jumppad:
0x0: {  	(pc) =	sbr.rel $0x88, $3  }
0x1: {  	(tag) =	ssettag $0x0;
	lr =	simm.s32 $0x1  }
0x2: {  	[smem:$0x3F9E] =	sst lr;
	_ =	strace $0xD0000000  }
0x3: {  	_ = 	snop  }
0x4: {  	_ = 	snop  }
0x5: {  	_ = 	snop  }
0x6: {  	_ = 	snop  }
0x7: {  	_ = 	snop  }
__scs_overlays_trampoline_lowered:
0x8: {  	[smem:$0x3FAD] =	sst s0  }
0x9: {  	[smem:$0x3FAE] =	sst s1  }
0xa: {  	[smem:$0x3FAF] =	sst s2  }
0xb: {  	[smem:$0x3FB0] =	sst s3  }
0xc: {  	[smem:$0x3FB1] =	sst s4  }
0xd: {  	[smem:$0x3FB2] =	sst s5  }
0xe: {  	[smem:$0x3FB3] =	sst s6  }
0xf: {  	[smem:$0x3FB4] =	sst s7  }
0x10: {  	[smem:$0x3FB5] =	sst s8  }
0x11: {  	[smem:$0x3FB6] =	sst s9;
	s0 =	simm.s32 @!p0 $0x0  }
0x12: {  	s1 =	sld [smem:$0x3F9C];
	s0 =	simm.s32 @p0 $0x1  }
0x13: {  	[smem:$0x3FB7] =	sst s0;
	s0 =	simm.s32 @!p1 $0x0  }
0x14: {  	s2 =	sld [smem:$0x3F9B];
	s0 =	simm.s32 @p1 $0x1  }
0x15: {  	[smem:$0x3FB8] =	sst s0;
	s0 =	simm.s32 @!p2 $0x0  }
0x16: {  	s3 =	sld [smem:$0x3FDB];
	s0 =	simm.s32 @p2 $0x1  }
0x17: {  	s4 =	simm.s32 $0x1BF5;
	[smem:$0x3FBA] =	sst s0  }
0x18: {  	s0 =	sld [smem:$0x3F9D];
	_ =	swait.ge [sflag:s4], $0x0  }
0x19: {  	s7 =	sld [smem:$0x3F9E]  }
0x1a: {  	s8 =	sadd.s32 $0xFFFFE003, lr  }
0x1b: {  	s9 =	sadd.s32 $0xFFFFFEF7, lr;
	s5 =	simm.s32 $0xFFFFFFFF;
	p2 =	slt.u32 s8, $0xFFFFF086  }
0x1c: {  	p1 =	slt.u32 s9, $0xF7A;
	s5 =	simm.s32 @!p2 $0x0  }
0x1d: {  	s5 =	simm.s32 @p1 $0x1;
	p0 =	seq.s32 s7, s2  }
0x1e: {  	s7 =	smul.u32 @!p0 $0xF7A, s2;
	p2 =	seq.s32 @!p0 s5, $0x0  }
0x1f: {  	s9 =	smul.u32 $0xF7A, s1;
	s8 =	simm.s32 @!p0 $0x1BF5;
	p2 =	por !p2, p0  }
0x20: {  	[sflag:s8] =	ssyncset.s32 @!p0 $0xFFFFF086;
	s6 =	sadd.s32 @!p0 s3, s7;
	s7 =	simm.s32 @!p0 $0x108  }
0x21: {  	s3 =	sadd.s32 s3, s9;
	s6 =	sadd.s32 @!p0 $0x88, s6;
	s7 =	simm.s32 @p2 $0x1082  }
0x22: {  	[simem:s7], [sflag:s8] =	dma.local @!p0 [hbm:s6], $0xF7A  }
0x23: {  	s9 =	sor.u32 $0xD0000000, s2;
	s6 =	simm.s32 $0x108;
	_ =	swait.ge @!p0 [sflag:s8], $0x0  }
0x24: {  	s3 =	sadd.s32 $0x88, s3;
	s6 =	simm.s32 @!p1 $0x1082;
	[sflag:s4] =	ssyncset.s32 $0xFFFFF086  }
0x25: {  	[simem:s6], [sflag:s4] =	dma.local [hbm:s3], $0xF7A  }
0x26: {  	[smem:$0x3F9E] =	sst s1;
	(tag) =	ssettag s2;
	_ =	strace s9  }
0x27: {  	s1 =	sld [smem:$0x3FAE]  }
0x28: {  	s2 =	sld [smem:$0x3FAF]  }
0x29: {  	s4 =	sld [smem:$0x3FB1]  }
0x2a: {  	p0 =	seq.s32 s5, $0x0;
	s5 =	sld [smem:$0x3FB2]  }
0x2b: {  	s6 =	sld [smem:$0x3FB3]  }
0x2c: {  	s7 =	sld [smem:$0x3FB4]  }
0x2d: {  	s3 =	simm.s32 $0x108;
	s8 =	sld [smem:$0x3FB5]  }
0x2e: {  	s3 =	simm.s32 @!p0 $0x1082;
	s9 =	sld [smem:$0x3FB6]  }
0x2f: {  	lr =	sadd.s32 s0, s3;
	s0 =	sld [smem:$0x3FAD]  }
0x30: {  	s3 =	sld [smem:$0x3FB0]  }
0x31: {  	[smem:$0x3FB9] =	sst s10  }
0x32: {  	s10 =	sld [smem:$0x3FB7];
	_ =	sdelay $0x3  }
0x33: {  	p0 =	seq.s32 s10, $0x1;
	s10 =	sld [smem:$0x3FB9];
	_ =	sdelay $0x3  }
0x34: {  	[smem:$0x3FB9] =	sst s10  }
0x35: {  	s10 =	sld [smem:$0x3FB8];
	_ =	sdelay $0x3  }
0x36: {  	p1 =	seq.s32 s10, $0x1;
	s10 =	sld [smem:$0x3FB9];
	_ =	sdelay $0x3  }
0x37: {  	[smem:$0x3FB9] =	sst s10  }
0x38: {  	s10 =	sld [smem:$0x3FBA]  }
0x39: {  	_ = 	snop;
	(pc) =	sbr.ind lr, $3  }
0x3a: {  	_ = 	snop  }
0x3b: {  	_ = 	snop  }
0x3c: {  	p2 =	seq.s32 s10, $0x1;
	s10 =	sld [smem:$0x3FB9]  }
0x3d: {  	_ =	shalt  }
0x3e: {  	_ =	shalt  }
0x3f: {  	_ =	shalt  }
0x40: {  	_ =	shalt  }
0x41: {  	_ =	shalt  }
0x42: {  	_ =	shalt  }
0x43: {  	_ =	shalt  }
0x44: {  	_ =	shalt  }
0x45: {  	_ =	shalt  }
0x46: {  	_ =	shalt  }
0x47: {  	_ =	shalt  }
0x48: {  	_ =	shalt  }
0x49: {  	_ =	shalt  }
0x4a: {  	_ =	shalt  }
0x4b: {  	_ =	shalt  }
0x4c: {  	_ =	shalt  }
0x4d: {  	_ =	shalt  }
0x4e: {  	_ =	shalt  }
0x4f: {  	_ =	shalt  }
0x50: {  	_ =	shalt  }
0x51: {  	_ =	shalt  }
0x52: {  	_ =	shalt  }
0x53: {  	_ =	shalt  }
0x54: {  	_ =	shalt  }
0x55: {  	_ =	shalt  }
0x56: {  	_ =	shalt  }
0x57: {  	_ =	shalt  }
0x58: {  	_ =	shalt  }
0x59: {  	_ =	shalt  }
0x5a: {  	_ =	shalt  }
0x5b: {  	_ =	shalt  }
0x5c: {  	_ =	shalt  }
0x5d: {  	_ =	shalt  }
0x5e: {  	_ =	shalt  }
0x5f: {  	_ =	shalt  }
0x60: {  	_ =	shalt  }
0x61: {  	_ =	shalt  }
0x62: {  	_ =	shalt  }
0x63: {  	_ =	shalt  }
0x64: {  	_ =	shalt  }
0x65: {  	_ =	shalt  }
0x66: {  	_ =	shalt  }
0x67: {  	_ =	shalt  }
0x68: {  	_ =	shalt  }
0x69: {  	_ =	shalt  }
0x6a: {  	_ =	shalt  }
0x6b: {  	_ =	shalt  }
0x6c: {  	_ =	shalt  }
0x6d: {  	_ =	shalt  }
0x6e: {  	_ =	shalt  }
0x6f: {  	_ =	shalt  }
0x70: {  	_ =	shalt  }
0x71: {  	_ =	shalt  }
0x72: {  	_ =	shalt  }
0x73: {  	_ =	shalt  }
0x74: {  	_ =	shalt  }
0x75: {  	_ =	shalt  }
0x76: {  	_ =	shalt  }
0x77: {  	_ =	shalt  }
0x78: {  	_ =	shalt  }
0x79: {  	_ =	shalt  }
0x7a: {  	_ =	shalt  }
0x7b: {  	_ =	shalt  }
0x7c: {  	_ =	shalt  }
0x7d: {  	_ =	shalt  }
0x7e: {  	_ =	shalt  }
0x7f: {  	_ =	shalt  }
0x80: {  	_ =	shalt  }
0x81: {  	_ =	shalt  }
0x82: {  	_ =	shalt  }
0x83: {  	_ =	shalt  }
0x84: {  	_ =	shalt  }
0x85: {  	_ =	shalt  }
0x86: {  	_ =	shalt  }
0x87: {  	_ =	shalt  }
.Lfunc_end0:
.L_simem_size_0:
called_computation_lowered:
.L_overlay_start_0:
0x88: {  	s2 =	sld [smem:$0x3FD9]  }
0x89: {  	s3 =	sld [smem:$0x3FFE];
	_ =	sdelay $0x1  }
0x8a: {  	s1 =	srdreg.scid  }
0x8b: {  	s0 =	sand.u32 $0x1, s1  }
0x8c: {  	s17 =	sshll.u32 s0, $0xA;
	s2 =	sadd.s32 s3, s2  }
0x8d: {  	s2 =	sadd.s32 s2, s17  }
0x8e: {  	[smem:$0x3FC5] =	sst s2  }
0x8f: {  	_ = 	snop  }
0x90: {  	s2 =	sld [smem:$0x3FD0];
	(tm) =	ssettm $0x1  }
0x91: {  	s18 =	sld [smem:$0x3FFB];
	_ =	sdelay $0x3  }
0x92: {  	_ =	strace s18  }
0x93: {  	s3 =	sld [smem:$0x3FFC];
	_ =	sdelay $0x3  }
0x94: {  	_ =	strace s3  }
0x95: {  	s3 =	sld [smem:$0x3FFD];
	_ =	sdelay $0x3  }
0x96: {  	_ =	strace s3  }
0x97: {  	_ =	strace $0x8FFFFFFF  }
0x98: {  	s19 =	sld [smem:$0x3FDB];
	_ =	sdelay $0x1  }
0x99: {  	s4 =	simm.s32 $_scs_section_size  }
0x9a: {  	s5 =	simm.s32 $_size__tile_overlayer_lowered;
	s6 =	simm.s32 $_tile_overlayer_lowered  }
0x9b: {  	s22 =	simm.s32 $0x1BFF;
	s21 =	sshll.u32 s6, $0x1;
	s3 =	sadd.s32 s4, s19  }
0x9c: {  	s7 =	simm.s32 $0x0;
	s20 =	sshll.u32 s5, $0x1;
	s5 =	sadd.s32 s21, s3  }
0x9d: {  	[timem:s7], [sflag:s22] =	dma.local [hbm:s5], s20  }
0x9e: {  	_ =	swait.ge [sflag:s22], s20  }
0x9f: {  	s4 =	ssub.s32 $0x0, s20;
	[sflag:s22] =	ssyncset.done $0x0  }
0xa0: {  	[sflag:s22] =	ssyncadd.s32 s4;
	_ =	sdelay $0x1  }
0xa1: {  	s23 =	simm.s32 $0x1B8B  }
0xa2: {  	_ =	swait.ge [sflag:s23], $0x1  }
0xa3: {  	[sflag:s23] =	ssyncset.done $0x0  }
0xa4: {  	s25 =	simm.s32 $0x1B8E;
	s24 =	sld [smem:$0x3FFE];
	[sflag:s23] =	ssyncadd.s32 $0xFFFFFFFF  }
0xa5: {  	s26 =	simm.s32 $execute0_lowered;
	[smem:$0x3FD2] =	sst s25  }
0xa6: {  	s5 =	sshll.u32 s26, $0x1;
	_ =	strace $0x80000046;
	[dreg:$0x1] =	wrdreg $0xFFFFFFFF  }
0xa7: {  	s28 =	simm.s32 $_size_execute0_lowered;
	s3 =	sadd.s32 s3, s5;
	[dreg:$0x0] =	wrdreg $0x0  }
0xa8: {  	s5 =	sshll.u32 s28, $0x1;
	[dreg:$0x2] =	wrdreg s3  }
0xa9: {  	[dreg:$0x3] =	wrdreg s5  }
0xaa: {  	[dreg:$0x4] =	wrdreg $0xC0  }
0xab: {  	_ =	task [dreg:s7], $0x5FFFF  }
0xac: {  	[dreg:$0x1] =	wrdreg $0xFFFFFFFF  }
0xad: {  	[dreg:$0x0] =	wrdreg $0x60  }
0xae: {  	[dreg:$0x2] =	wrdreg s24  }
0xaf: {  	[dreg:$0x3] =	wrdreg s2  }
0xb0: {  	[dreg:$0x4] =	wrdreg $0x9  }
0xb1: {  	_ =	task.clear_ibuf [dreg:s7], $0x5FFFF;
	_ =	strace $0x90000046  }
0xb2: {  	s29 =	simm.s32 $0x9;
	_ =	strace $0x80000048  }
0xb3: {  	_ =	swait.ge [sflag:s29], $0x1  }
0xb4: {  	[sflag:s29] =	ssyncadd.s32 $0xFFFFFFFF  }
0xb5: {  	_ =	strace $0x90000048  }
0xb6: {  	_ =	sfence  }
0xb7: {  	s30 =	sld [smem:$0x0];
	_ =	sdelay $0x2  }
0xb8: {  	s31 =	sshll.u32 s1, $0xD;
	s1 =	sshrl.u32 s1, $0x2  }
0xb9: {  	s3 =	sand.u32 $0x4000, s31;
	s1 =	sadd.s32 s1, s30  }
0xba: {  	s0 =	sor.u32 s3, s0;
	s1 =	sshll.u32 s1, $0x11  }
0xbb: {  	s0 =	sor.u32 s1, s0  }
0xbc: {  	s0 =	sadd.s32 $0x8F2B, s0  }
0xbd: {  	[sflag:s0] =	ssyncadd.remote.s32 $0x1  }
0xbe: {  	_ =	sfence.sel $0xFFFF  }
0xbf: {  	[dreg:$0x0] =	wrdreg $0xFFFFFFFF;
	(pc) =	sbr.abs _section_cstart, $3  }
0xc0: {  	[dreg:$0x1] =	wrdreg $0xFFFFFFFF  }
0xc1: {  	_ =	task.clear_ibuf [dreg:s7], $0x2FFFF;
	_ =	strace $0x9FFFFFFF  }
0xc2: {  	(tm) =	ssettm $0x7FFFFFFF  }
0xc3: {  	_ =	shalt  }
tec
execute0_lowered:
.L_overlay_start_1:
0x0: {  	(tag) =	ssettag $0x1  }
0x1: {  	s0 =	rddreg [dreg:$0x0]  }
0x2: {  	s1 =	rddreg [dreg:$0x1]  }
0x3: {  	s2 =	srdreg.scid;
	s4 =	stileid.u32;
	s9 =	simm.s32 $0x3  }
0x4: {  	s10 =	simm.s32 $0x200;
	s11 =	simm.s32 $0x80;
	s12 =	simm.s32 $0x400  }
0x5: {  	s13 =	simm.s32 $0x4400;
	s14 =	simm.s32 $0x1400;
	s15 =	simm.s32 $0x280  }
0x6: {  	s16 =	simm.s32 $0x5400;
	s17 =	simm.s32 $0x100;
	s18 =	simm.s32 $0x2400  }
0x7: {  	s19 =	simm.s32 $0x300;
	s20 =	simm.s32 $0x6400;
	s21 =	simm.s32 $0x180  }
0x8: {  	s22 =	simm.s32 $0x3400;
	s23 =	simm.s32 $0x380;
	s24 =	simm.s32 $0x7400  }
0x9: {  	s25 =	simm.s32 $0x1;
	s26 =	simm.s32 $0x2;
	s28 =	simm.s32 $0x8400  }
0xa: {  	s29 =	simm.s32 $0x0;
	s3 =	sand.u32 $0x1, s2;
	s2 =	simm.s32 $0x0  }
0xb: {  	s4 =	sshll.u32 s4, $0x7;
	s5 =	sshll.u32 s3, $0x6;
	[smem:$0x7FF] =	sst s2  }
0xc: {  	s30 =	ssub.s32 $0x2, s3;
	s3 =	sadd.s32 $0xF43A00, s0;
	s7 =	sor.u32 s5, s4  }
0xd: {  	_ =	strace $0x80000047;
	s8 =	sshrl.u32 s30, $0x1;
	s4 =	sadd.s32 $0x1314400, s0  }
0xe: {  	s6 =	sadd.s32 s7, s0;
	s31 =	ssub.s32 s30, s8;
	s7 =	sadd.s32 s1, s7  }
0xf: {  	vm0 =	vcmask $0x3F3C;
	s5 =	sadd.s32 $0xE00, s6;
	s6 =	sadd.s32 $0x600, s6;
	s8 =	smax.u32 s31, $0x1  }
.LBB2_1:
0x10: {  	[tilespmem:s2], [sflag:$0x3] =	stream.linear.gather [hbm4b:s5+s2], $0x200, $0x38;
	[tilespmem:$0x8610] =	vst v63  }
0x11: {  	_ =	swait.ge [sflag:s9], $0x200  }
0x12: {  	[sflag:s9] =	ssyncset.done $0x0  }
0x13: {  	[sflag:s9] =	ssyncadd.s32 $0xFFFFFE00  }
0x14: {  	[tilespmem:s10], [sflag:$0x3] =	stream.linear.gather [hbm4b:s6+s2], $0x200, $0x38;
	[tilespmem:$0x8610] =	vst v63  }
0x15: {  	_ =	swait.ge [sflag:s9], $0x200  }
0x16: {  	[sflag:s9] =	ssyncset.done $0x0  }
0x17: {  	[sflag:s9] =	ssyncadd.s32 $0xFFFFFE00  }
0x18: {  	[tilespmem:s12], [sflag:$0x1] =	stream.indirect.gather [hbm4b:s3+s11], $0x20, s2, s11, $0xb8;
	[tilespmem:$0x8610] =	vst v63  }
0x19: {  	_ = 	snop  }
0x1a: {  	[tilespmem:s13], [sflag:$0x2] =	stream.indirect.gather [hbm4b:s4+s11], $0x20, s10, s11, $0xb8;
	[tilespmem:$0x8610] =	vst v63  }
0x1b: {  	_ = 	snop  }
0x1c: {  	[tilespmem:s14], [sflag:$0x1] =	stream.indirect.gather [hbm4b:s3+s11], $0x20, s11, s11, $0xb8;
	[tilespmem:$0x8610] =	vst v63  }
0x1d: {  	_ = 	snop  }
0x1e: {  	[tilespmem:s16], [sflag:$0x2] =	stream.indirect.gather [hbm4b:s4+s11], $0x20, s15, s11, $0xb8;
	[tilespmem:$0x8610] =	vst v63  }
0x1f: {  	_ = 	snop  }
0x20: {  	[tilespmem:s18], [sflag:$0x1] =	stream.indirect.gather [hbm4b:s3+s11], $0x20, s17, s11, $0xb8;
	[tilespmem:$0x8610] =	vst v63  }
0x21: {  	_ = 	snop  }
0x22: {  	[tilespmem:s20], [sflag:$0x2] =	stream.indirect.gather [hbm4b:s4+s11], $0x20, s19, s11, $0xb8;
	[tilespmem:$0x8610] =	vst v63  }
0x23: {  	_ = 	snop  }
0x24: {  	[tilespmem:s22], [sflag:$0x1] =	stream.indirect.gather [hbm4b:s3+s11], $0x20, s21, s11, $0xb8;
	[tilespmem:$0x8610] =	vst v63  }
0x25: {  	_ = 	snop  }
0x26: {  	[tilespmem:s24], [sflag:$0x2] =	stream.indirect.gather [hbm4b:s4+s11], $0x20, s23, s11, $0xb8;
	[tilespmem:$0x8610] =	vst v63  }
0x27: {  	_ =	swait.ge [sflag:s25], $0x1000  }
0x28: {  	[sflag:s25] =	ssyncset.done $0x0  }
0x29: {  	[sflag:s25] =	ssyncadd.s32 $0xFFFFF000  }
0x2a: {  	_ =	swait.ge [sflag:s26], $0x1000  }
0x2b: {  	[sflag:s26] =	ssyncset.done $0x0  }
0x2c: {  	[sflag:s26] =	ssyncadd.s32 $0xFFFFF000  }
0x2d: {  	_ =	swait.ge [sflag:s25], $0x1000  }
0x2e: {  	[sflag:s25] =	ssyncset.done $0x0  }
0x2f: {  	[sflag:s25] =	ssyncadd.s32 $0xFFFFF000  }
0x30: {  	_ =	swait.ge [sflag:s26], $0x1000  }
0x31: {  	[sflag:s26] =	ssyncset.done $0x0  }
0x32: {  	[sflag:s26] =	ssyncadd.s32 $0xFFFFF000  }
0x33: {  	_ =	swait.ge [sflag:s25], $0x1000  }
0x34: {  	[sflag:s25] =	ssyncset.done $0x0  }
0x35: {  	[sflag:s25] =	ssyncadd.s32 $0xFFFFF000  }
0x36: {  	_ =	swait.ge [sflag:s26], $0x1000  }
0x37: {  	[sflag:s26] =	ssyncset.done $0x0  }
0x38: {  	[sflag:s26] =	ssyncadd.s32 $0xFFFFF000  }
0x39: {  	_ =	swait.ge [sflag:s25], $0x1000  }
0x3a: {  	[sflag:s25] =	ssyncset.done $0x0  }
0x3b: {  	[sflag:s25] =	ssyncadd.s32 $0xFFFFF000  }
0x3c: {  	_ =	swait.ge [sflag:s26], $0x1000  }
0x3d: {  	s30 =	simm.s32 $0x500;
	[sflag:s26] =	ssyncset.done $0x0  }
0x3e: {  	s31 =	simm.s32 $0x4500;
	s0 =	simm.s32 $0x0;
	[sflag:s26] =	ssyncadd.s32 $0xFFFFF000  }
.LBB2_2:
0x3f: {  	v0 =	vld [tilespmem:s30+$0xFFFFFF00]  }
0x40: {  	v1 =	vld [tilespmem:s30+$0xFFFFFF10]  }
0x41: {  	v2 =	vld [tilespmem:s31+$0xFFFFFF00]  }
0x42: {  	v3 =	vld [tilespmem:s31+$0xFFFFFF10];
	_ =	sdelay $0x4  }
0x43: {  	v0 =	vmul.f32 v2, v0;
	v1 =	vmul.f32 v3, v1;
	_ =	sdelay $0x1  }
0x44: {  	v0 =	vadd.f32 v1, v0;
	_ =	sdelay $0x1  }
0x45: {  	(xrf2) =	vadd.scan.msk.f32 $0xffff, v0;
	_ =	sdelay $0x9  }
0x46: {  	s1 =	sshra.s32 s0, $0x2;
	v0, _, _ =	vpop (xrf2)  }
0x47: {  	[tilespmem:s1+$0x8400] =	vst.msk vm0, v0  }
0x48: {  	v0 =	vld [tilespmem:s30+$0xFFFFFF20]  }
0x49: {  	v19 =	vld [tilespmem:s30+$0xFFFFFF30]  }
0x4a: {  	v20 =	vld [tilespmem:s31+$0xFFFFFF20]  }
0x4b: {  	v21 =	vld [tilespmem:s31+$0xFFFFFF30];
	_ =	sdelay $0x4  }
0x4c: {  	v0 =	vmul.f32 v20, v0;
	v1 =	vmul.f32 v21, v19;
	_ =	sdelay $0x1  }
0x4d: {  	v0 =	vadd.f32 v1, v0;
	_ =	sdelay $0x1  }
0x4e: {  	(xrf2) =	vadd.scan.msk.f32 $0xffff, v0;
	_ =	sdelay $0x9  }
0x4f: {  	v0, _, _ =	vpop (xrf2)  }
0x50: {  	[tilespmem:s1+$0x8401] =	vst.msk vm0, v0  }
0x51: {  	v0 =	vld [tilespmem:s30+$0xFFFFFF40]  }
0x52: {  	v22 =	vld [tilespmem:s30+$0xFFFFFF50]  }
0x53: {  	v23 =	vld [tilespmem:s31+$0xFFFFFF40]  }
0x54: {  	v24 =	vld [tilespmem:s31+$0xFFFFFF50];
	_ =	sdelay $0x4  }
0x55: {  	v0 =	vmul.f32 v23, v0;
	v1 =	vmul.f32 v24, v22;
	_ =	sdelay $0x1  }
0x56: {  	v0 =	vadd.f32 v1, v0;
	_ =	sdelay $0x1  }
0x57: {  	(xrf2) =	vadd.scan.msk.f32 $0xffff, v0;
	_ =	sdelay $0x9  }
0x58: {  	v0, _, _ =	vpop (xrf2)  }
0x59: {  	[tilespmem:s1+$0x8402] =	vst.msk vm0, v0  }
0x5a: {  	v0 =	vld [tilespmem:s30+$0xFFFFFF60]  }
0x5b: {  	v25 =	vld [tilespmem:s30+$0xFFFFFF70]  }
0x5c: {  	v26 =	vld [tilespmem:s31+$0xFFFFFF60]  }
0x5d: {  	v27 =	vld [tilespmem:s31+$0xFFFFFF70];
	_ =	sdelay $0x4  }
0x5e: {  	v0 =	vmul.f32 v26, v0;
	v1 =	vmul.f32 v27, v25;
	_ =	sdelay $0x1  }
0x5f: {  	v0 =	vadd.f32 v1, v0;
	_ =	sdelay $0x1  }
0x60: {  	(xrf2) =	vadd.scan.msk.f32 $0xffff, v0;
	_ =	sdelay $0x9  }
0x61: {  	v0, _, _ =	vpop (xrf2)  }
0x62: {  	[tilespmem:s1+$0x8403] =	vst.msk vm0, v0  }
0x63: {  	v0 =	vld [tilespmem:s30+$0xFFFFFF80]  }
0x64: {  	v28 =	vld [tilespmem:s30+$0xFFFFFF90]  }
0x65: {  	v29 =	vld [tilespmem:s31+$0xFFFFFF80]  }
0x66: {  	v30 =	vld [tilespmem:s31+$0xFFFFFF90];
	_ =	sdelay $0x4  }
0x67: {  	v0 =	vmul.f32 v29, v0;
	v1 =	vmul.f32 v30, v28;
	_ =	sdelay $0x1  }
0x68: {  	v0 =	vadd.f32 v1, v0;
	_ =	sdelay $0x1  }
0x69: {  	(xrf2) =	vadd.scan.msk.f32 $0xffff, v0;
	_ =	sdelay $0x9  }
0x6a: {  	v0, _, _ =	vpop (xrf2)  }
0x6b: {  	[tilespmem:s1+$0x8404] =	vst.msk vm0, v0  }
0x6c: {  	v0 =	vld [tilespmem:s30+$0xFFFFFFA0]  }
0x6d: {  	v31 =	vld [tilespmem:s30+$0xFFFFFFB0]  }
0x6e: {  	v32 =	vld [tilespmem:s31+$0xFFFFFFA0]  }
0x6f: {  	v33 =	vld [tilespmem:s31+$0xFFFFFFB0];
	_ =	sdelay $0x4  }
0x70: {  	v0 =	vmul.f32 v32, v0;
	v1 =	vmul.f32 v33, v31;
	_ =	sdelay $0x1  }
0x71: {  	v0 =	vadd.f32 v1, v0;
	_ =	sdelay $0x1  }
0x72: {  	(xrf2) =	vadd.scan.msk.f32 $0xffff, v0;
	_ =	sdelay $0x9  }
0x73: {  	v0, _, _ =	vpop (xrf2)  }
0x74: {  	[tilespmem:s1+$0x8405] =	vst.msk vm0, v0  }
0x75: {  	v0 =	vld [tilespmem:s30+$0xFFFFFFC0]  }
0x76: {  	v34 =	vld [tilespmem:s30+$0xFFFFFFD0]  }
0x77: {  	v35 =	vld [tilespmem:s31+$0xFFFFFFC0]  }
0x78: {  	v36 =	vld [tilespmem:s31+$0xFFFFFFD0];
	_ =	sdelay $0x4  }
0x79: {  	v0 =	vmul.f32 v35, v0;
	v1 =	vmul.f32 v36, v34;
	_ =	sdelay $0x1  }
0x7a: {  	v0 =	vadd.f32 v1, v0;
	_ =	sdelay $0x1  }
0x7b: {  	(xrf2) =	vadd.scan.msk.f32 $0xffff, v0;
	_ =	sdelay $0x9  }
0x7c: {  	v0, _, _ =	vpop (xrf2)  }
0x7d: {  	[tilespmem:s1+$0x8406] =	vst.msk vm0, v0  }
0x7e: {  	v0 =	vld [tilespmem:s30+$0xFFFFFFE0]  }
0x7f: {  	v37 =	vld [tilespmem:s30+$0xFFFFFFF0]  }
0x80: {  	v38 =	vld [tilespmem:s31+$0xFFFFFFE0]  }
0x81: {  	v39 =	vld [tilespmem:s31+$0xFFFFFFF0];
	_ =	sdelay $0x4  }
0x82: {  	v0 =	vmul.f32 v38, v0;
	v1 =	vmul.f32 v39, v37;
	_ =	sdelay $0x1  }
0x83: {  	v0 =	vadd.f32 v1, v0;
	_ =	sdelay $0x1  }
0x84: {  	(xrf2) =	vadd.scan.msk.f32 $0xffff, v0;
	_ =	sdelay $0x9  }
0x85: {  	v0, _, _ =	vpop (xrf2)  }
0x86: {  	[tilespmem:s1+$0x8407] =	vst.msk vm0, v0  }
0x87: {  	v0 =	vld [tilespmem:s30+$0x0]  }
0x88: {  	v40 =	vld [tilespmem:s30+$0x10]  }
0x89: {  	v41 =	vld [tilespmem:s31+$0x0]  }
0x8a: {  	v42 =	vld [tilespmem:s31+$0x10];
	_ =	sdelay $0x4  }
0x8b: {  	v0 =	vmul.f32 v41, v0;
	v1 =	vmul.f32 v42, v40;
	_ =	sdelay $0x1  }
0x8c: {  	v0 =	vadd.f32 v1, v0;
	_ =	sdelay $0x1  }
0x8d: {  	(xrf2) =	vadd.scan.msk.f32 $0xffff, v0;
	_ =	sdelay $0x9  }
0x8e: {  	v0, _, _ =	vpop (xrf2)  }
0x8f: {  	[tilespmem:s1+$0x8408] =	vst.msk vm0, v0  }
0x90: {  	v0 =	vld [tilespmem:s30+$0x20]  }
0x91: {  	v43 =	vld [tilespmem:s30+$0x30]  }
0x92: {  	v44 =	vld [tilespmem:s31+$0x20]  }
0x93: {  	v45 =	vld [tilespmem:s31+$0x30];
	_ =	sdelay $0x4  }
0x94: {  	v0 =	vmul.f32 v44, v0;
	v1 =	vmul.f32 v45, v43;
	_ =	sdelay $0x1  }
0x95: {  	v0 =	vadd.f32 v1, v0;
	_ =	sdelay $0x1  }
0x96: {  	(xrf2) =	vadd.scan.msk.f32 $0xffff, v0;
	_ =	sdelay $0x9  }
0x97: {  	v0, _, _ =	vpop (xrf2)  }
0x98: {  	[tilespmem:s1+$0x8409] =	vst.msk vm0, v0  }
0x99: {  	v0 =	vld [tilespmem:s30+$0x40]  }
0x9a: {  	v46 =	vld [tilespmem:s30+$0x50]  }
0x9b: {  	v47 =	vld [tilespmem:s31+$0x40]  }
0x9c: {  	v48 =	vld [tilespmem:s31+$0x50];
	_ =	sdelay $0x4  }
0x9d: {  	v0 =	vmul.f32 v47, v0;
	v1 =	vmul.f32 v48, v46;
	_ =	sdelay $0x1  }
0x9e: {  	v0 =	vadd.f32 v1, v0;
	_ =	sdelay $0x1  }
0x9f: {  	(xrf2) =	vadd.scan.msk.f32 $0xffff, v0;
	_ =	sdelay $0x9  }
0xa0: {  	v0, _, _ =	vpop (xrf2)  }
0xa1: {  	[tilespmem:s1+$0x840A] =	vst.msk vm0, v0  }
0xa2: {  	v0 =	vld [tilespmem:s30+$0x60]  }
0xa3: {  	v49 =	vld [tilespmem:s30+$0x70]  }
0xa4: {  	v50 =	vld [tilespmem:s31+$0x60]  }
0xa5: {  	v51 =	vld [tilespmem:s31+$0x70];
	_ =	sdelay $0x4  }
0xa6: {  	v0 =	vmul.f32 v50, v0;
	v1 =	vmul.f32 v51, v49;
	_ =	sdelay $0x1  }
0xa7: {  	v0 =	vadd.f32 v1, v0;
	_ =	sdelay $0x1  }
0xa8: {  	(xrf2) =	vadd.scan.msk.f32 $0xffff, v0;
	_ =	sdelay $0x9  }
0xa9: {  	v0, _, _ =	vpop (xrf2)  }
0xaa: {  	[tilespmem:s1+$0x840B] =	vst.msk vm0, v0  }
0xab: {  	v0 =	vld [tilespmem:s30+$0x80]  }
0xac: {  	v52 =	vld [tilespmem:s30+$0x90]  }
0xad: {  	v53 =	vld [tilespmem:s31+$0x80]  }
0xae: {  	v54 =	vld [tilespmem:s31+$0x90];
	_ =	sdelay $0x4  }
0xaf: {  	v0 =	vmul.f32 v53, v0;
	v1 =	vmul.f32 v54, v52;
	_ =	sdelay $0x1  }
0xb0: {  	v0 =	vadd.f32 v1, v0;
	_ =	sdelay $0x1  }
0xb1: {  	(xrf2) =	vadd.scan.msk.f32 $0xffff, v0;
	_ =	sdelay $0x9  }
0xb2: {  	v0, _, _ =	vpop (xrf2)  }
0xb3: {  	[tilespmem:s1+$0x840C] =	vst.msk vm0, v0  }
0xb4: {  	v0 =	vld [tilespmem:s30+$0xA0]  }
0xb5: {  	v55 =	vld [tilespmem:s30+$0xB0]  }
0xb6: {  	v56 =	vld [tilespmem:s31+$0xA0]  }
0xb7: {  	v57 =	vld [tilespmem:s31+$0xB0];
	_ =	sdelay $0x4  }
0xb8: {  	v0 =	vmul.f32 v56, v0;
	v1 =	vmul.f32 v57, v55;
	_ =	sdelay $0x1  }
0xb9: {  	v0 =	vadd.f32 v1, v0;
	_ =	sdelay $0x1  }
0xba: {  	(xrf2) =	vadd.scan.msk.f32 $0xffff, v0;
	_ =	sdelay $0x9  }
0xbb: {  	v0, _, _ =	vpop (xrf2)  }
0xbc: {  	[tilespmem:s1+$0x840D] =	vst.msk vm0, v0  }
0xbd: {  	v0 =	vld [tilespmem:s30+$0xC0]  }
0xbe: {  	v58 =	vld [tilespmem:s30+$0xD0]  }
0xbf: {  	v59 =	vld [tilespmem:s31+$0xC0]  }
0xc0: {  	v60 =	vld [tilespmem:s31+$0xD0];
	_ =	sdelay $0x4  }
0xc1: {  	v0 =	vmul.f32 v59, v0;
	v1 =	vmul.f32 v60, v58;
	_ =	sdelay $0x1  }
0xc2: {  	v0 =	vadd.f32 v1, v0;
	_ =	sdelay $0x1  }
0xc3: {  	(xrf2) =	vadd.scan.msk.f32 $0xffff, v0;
	_ =	sdelay $0x9  }
0xc4: {  	v0, _, _ =	vpop (xrf2)  }
0xc5: {  	[tilespmem:s1+$0x840E] =	vst.msk vm0, v0  }
0xc6: {  	v0 =	vld [tilespmem:s30+$0xE0]  }
0xc7: {  	v61 =	vld [tilespmem:s30+$0xF0]  }
0xc8: {  	v62 =	vld [tilespmem:s31+$0xE0]  }
0xc9: {  	v63 =	vld [tilespmem:s31+$0xF0];
	_ =	sdelay $0x4  }
0xca: {  	v0 =	vmul.f32 v62, v0;
	v1 =	vmul.f32 v63, v61;
	_ =	sdelay $0x1  }
0xcb: {  	v0 =	vadd.f32 v1, v0;
	_ =	sdelay $0x1  }
0xcc: {  	(xrf2) =	vadd.scan.msk.f32 $0xffff, v0;
	_ =	sdelay $0x5  }
0xcd: {  	p0 =	sne.s32 s0, $0x7C0  }
.Ltmp0:
0xce: {  	_ = 	snop;
	(pc) =	sbr.rel @p0 .LBB2_2-.Ltmp0, $3  }
0xcf: {  	_ =	sdelay $0x1  }
0xd0: {  	v0, _, _ =	vpop (xrf2)  }
0xd1: {  	s0 =	sadd.s32 $0x40, s0;
	s30 =	sadd.s32 $0x200, s30;
	s31 =	sadd.s32 $0x200, s31;
	[tilespmem:s1+$0x840F] =	vst.msk vm0, v0  }
0xd2: {  	s29 =	sadd.s32 $0x1, s29  }
0xd3: {  	p0 =	sne.s32 s29, s8  }
.Ltmp1:
0xd4: {  	_ = 	snop;
	(pc) =	sbr.rel @p0 .LBB2_1-.Ltmp1, $4  }
0xd5: {  	[hbm4b:s7+s2] =	stream.linear.scatter [tilespmem:s28], [sflag:$0x3], $0x200, $0x38;
	[tilespmem:$0x8610] =	vst v63  }
0xd6: {  	_ =	swait.ge [sflag:s9], $0x200  }
0xd7: {  	[sflag:s9] =	ssyncset.done $0x0  }
0xd8: {  	[sflag:s9] =	ssyncadd.s32 $0xFFFFFE00  }
0xd9: {  	_ =	sfence.sel $0x180000  }
0xda: {  	[bflag:$0x0] =	sbarrier.arrive $0xFFFF  }
0xdb: {  	_ =	strace $0x90000047  }
0xdc: {  	s0 =	stileid.u32;
	[bflag:$0x2] =	sbarrier.arrive $0xFFFF  }
0xdd: {  	p0 =	sne.s32 s0, $0x0;
	s0 =	rddreg [dreg:$0x2]  }
0xde: {  	s0 =	sadd.s32 @!p0 $0x100000, s0  }
0xdf: {  	[sflag:s0] =	ssyncadd.tile.s32 @!p0 $0x1;
	_ =	shalt  }
.Lfunc_end2:
_tile_overlayer_lowered:
.L_overlay_start_2:
0xe0: {  	(tag) =	ssettag $0x2  }
0xe1: {  	s0 =	rddreg [dreg:$0x0];
	s2 =	stileid.u32  }
0xe2: {  	s1 =	rddreg [dreg:$0x1];
	p0 =	sne.s32 s2, $0x0  }
0xe3: {  	s3 =	rddreg [dreg:$0x2];
	[bflag:$0x3] =	sbarrier.arrive $0xFFFF;
	s2 =	simm.s32 @!p0 $0x1C03  }
0xe4: {  	[timem:s3], [sflag:s2] =	dma.local @!p0 [hbm:s0], s1  }
0xe5: {  	s0 =	simm.s32 @!p0 $0x3  }
0xe6: {  	_ =	swait.ge @!p0 [sflag:s0], s1  }
0xe7: {  	s1 =	ssub.s32 @!p0 $0x0, s1;
	[sflag:s0] =	ssyncset.done @!p0 $0x0  }
0xe8: {  	[sflag:s0] =	ssyncadd.s32 @!p0 s1  }
0xe9: {  	[bflag:$0x3] =	sbarrier.arrive $0xFFFF  }
0xea: {  	_ =	shalt  }

</sc_bundles>
